<compile_context>
chip_gen: v7x
topology: tpu7x:2x2x1
jax: 0.10.2.dev20260603
libtpu: 0.0.44.dev20260713+nightly
codegen_flags: <defaults>
</compile_context>

<pallas_src>
import functools

import jax
import jax.numpy as jnp
from jax import lax
from jax.experimental import pallas as pl
from jax.experimental.pallas import tpu as pltpu
from jax.experimental.pallas import tpu_sc as plsc

SEQ = 50
HALF_SEQ = 25
LANES = 16
BCHUNK = 128
DGROUP = 8


def _make_sc_gather(Bq, V, D):
    info = plsc.get_sparse_core_info()
    num_workers = info.num_cores * info.num_subcores
    n_dgroups = D // DGROUP
    n_quarters = num_workers // n_dgroups
    b_per_w = Bq // n_quarters
    n_chunks = b_per_w // BCHUNK
    n_pairs = n_chunks // 2
    mesh = plsc.VectorSubcoreMesh(core_axis_name="c", subcore_axis_name="s")

    @functools.partial(
        pl.kernel,
        mesh=mesh,
        out_type=jax.ShapeDtypeStruct((SEQ, D, Bq), jnp.float32),
        scratch_types=[
            pltpu.VMEM((DGROUP, V), jnp.float32),
            pltpu.VMEM((SEQ, BCHUNK), jnp.int32),
            pltpu.VMEM((SEQ, BCHUNK), jnp.int32),
            pltpu.VMEM((HALF_SEQ, DGROUP, BCHUNK), jnp.float32),
            pltpu.VMEM((HALF_SEQ, DGROUP, BCHUNK), jnp.float32),
            pltpu.SemaphoreType.DMA,
            pltpu.SemaphoreType.DMA,
            pltpu.SemaphoreType.DMA,
            pltpu.SemaphoreType.DMA,
        ],
        compiler_params=pltpu.CompilerParams(needs_layout_passes=False),
    )
    def gather_kernel(
        idxT_hbm, tblT_hbm, out_hbm, tbl_v, idx0, idx1, st0, st1, si0, si1, so0, so1
    ):
        wid = lax.axis_index("s") * info.num_cores + lax.axis_index("c")
        g = wid % n_dgroups
        q = wid // n_dgroups
        b_base = q * b_per_w
        idxb = (idx0, idx1)
        si = (si0, si1)
        st = (st0, st1)
        so = (so0, so1)

        pltpu.sync_copy(tblT_hbm.at[pl.ds(g * DGROUP, DGROUP), :], tbl_v)

        d_splats = [jnp.full((LANES,), d, jnp.int32) for d in range(DGROUP)]

        def fire_idx(c, b):
            pltpu.async_copy(
                idxT_hbm.at[:, pl.ds(pl.multiple_of(b_base + c * BCHUNK, 128), BCHUNK)],
                idxb[b],
                si[b],
            )

        def wait_idx(b):
            pltpu.make_async_copy(
                idxT_hbm.at[:, pl.ds(0, BCHUNK)], idxb[b], si[b]
            ).wait()

        def compute_half(ib, h, c):
            @plsc.parallel_loop(0, HALF_SEQ * (BCHUNK // LANES), unroll=2)
            def s_body(n):
                si_ = n // (BCHUNK // LANES)
                bg = n % (BCHUNK // LANES)
                s = h * HALF_SEQ + si_
                iv = idxb[ib][s, pl.ds(bg * LANES, LANES)]
                for d in range(DGROUP):
                    v = plsc.load_gather(tbl_v, [d_splats[d], iv])
                    st[h][si_, d, pl.ds(bg * LANES, LANES)] = v

        def start_out(h, c):
            pltpu.async_copy(
                st[h],
                out_hbm.at[
                    pl.ds(h * HALF_SEQ, HALF_SEQ),
                    pl.ds(g * DGROUP, DGROUP),
                    pl.ds(pl.multiple_of(b_base + c * BCHUNK, 128), BCHUNK),
                ],
                so[h],
            )

        def wait_out(h):
            pltpu.make_async_copy(
                st[h],
                out_hbm.at[
                    pl.ds(0, HALF_SEQ), pl.ds(0, DGROUP), pl.ds(0, BCHUNK)
                ],
                so[h],
            ).wait()

        def do_chunk(ib, c):
            for h in range(2):
                @pl.when(c > 0)
                def _():
                    wait_out(h)

                compute_half(ib, h, c)
                start_out(h, c)

        fire_idx(0, 0)

        def pair_body(p, carry):
            c = 2 * p
            wait_idx(0)
            fire_idx(c + 1, 1)
            do_chunk(0, c)
            wait_idx(1)

            @pl.when(p + 1 < n_pairs)
            def _():
                fire_idx(c + 2, 0)

            do_chunk(1, c + 1)
            return carry

        lax.fori_loop(0, n_pairs, pair_body, 0)
        wait_out(0)
        wait_out(1)

    return gather_kernel


def kernel(dayssinceepoch, pos_embed):
    Bq, S = dayssinceepoch.shape
    V, D = pos_embed.shape
    idxT = dayssinceepoch.astype(jnp.int32).T
    tblT = pos_embed.T
    outT = _make_sc_gather(Bq, V, D)(idxT, tblT)
    return jnp.transpose(outT, (2, 0, 1))

# --- scband reference (transcript-rebuilt; emitter-appended) ---
"""Pipeline reference for scband-positional-encoding-3745211483056 (READ-ONLY COPY).

The authoritative reference and input builder live on the scoring server;
editing this copy changes nothing except your own understanding.
"""

import jax, jax.numpy as jnp
import numpy as np
import math

EMBEDDING_DIM = 64
MAX_LEN = 3660


def _build_pos_embed(embedding_dim=EMBEDDING_DIM, max_len=MAX_LEN):
    year = 365.2422
    position = jnp.arange(max_len, dtype=jnp.float32)[:, None]
    step = -9.0 / embedding_dim * 2.0
    exponents = jnp.arange(6.0, -3.0, step, dtype=jnp.float32)
    periods = year / (2.0 ** exponents)
    pe = jnp.zeros((max_len, embedding_dim), dtype=jnp.float32)
    pe = pe.at[:, 0::2].set(jnp.sin(2.0 * math.pi * position / periods))
    pe = pe.at[:, 1::2].set(jnp.cos(2.0 * math.pi * position / periods))
    return pe


def setup_inputs(seed: int = 0) -> dict:
    key = jax.random.key(seed)
    dayssinceepoch = jax.random.randint(key, (16384, 50), 0, MAX_LEN)
    pos_embed = _build_pos_embed()
    return {"dayssinceepoch": dayssinceepoch, "pos_embed": pos_embed}


def reference(dayssinceepoch, pos_embed):
    # forward: self.pos_embed[dayssinceepoch, :]
    return jnp.take(pos_embed, dayssinceepoch, axis=0)

if __name__ == "__main__":
    import jax
    _d = setup_inputs()
    print(jax.jit(kernel)(*tuple(_d.values())))

</pallas_src>

<mosaic_0001>
#map = affine_map<(d0, d1) -> (0, 0)>
#map1 = affine_map<(d0, d1) -> (0, 0, 0)>
module attributes {stable_mosaic.version = 14 : i64} {
  func.func @gather_kernel(%arg0: i32, %arg1: i32, %arg2: memref<50x16384xi32, #tpu.memory_space<hbm>>, %arg3: memref<64x3660xf32, #tpu.memory_space<hbm>>, %arg4: memref<50x64x16384xf32, #tpu.memory_space<hbm>>, %arg5: memref<8x3660xf32, #tpu.memory_space<vmem>>, %arg6: memref<50x128xi32, #tpu.memory_space<vmem>>, %arg7: memref<50x128xi32, #tpu.memory_space<vmem>>, %arg8: memref<25x8x128xf32, #tpu.memory_space<vmem>>, %arg9: memref<25x8x128xf32, #tpu.memory_space<vmem>>, %arg10: memref<!tpu.dma_semaphore, #tpu.memory_space<semaphore_mem>>, %arg11: memref<!tpu.dma_semaphore, #tpu.memory_space<semaphore_mem>>, %arg12: memref<!tpu.dma_semaphore, #tpu.memory_space<semaphore_mem>>, %arg13: memref<!tpu.dma_semaphore, #tpu.memory_space<semaphore_mem>>) attributes {dimension_semantics = [#tpu.dimension_semantics<core_parallel>, #tpu.dimension_semantics<subcore_parallel>], iteration_bounds = array<i64: 2, 16>, scalar_prefetch = 0 : i64, scratch_operands = 9 : i64, tpu.core_type = #tpu.core_type<sc_vector_subcore>, window_params = [{transform_indices = #map}, {transform_indices = #map}, {transform_indices = #map1}]} {
    %mul3A = arith.constant 2 : i32
    %mul3A_0 = arith.muli %arg1, %mul3A : i32
    %add3A = arith.addi %mul3A_0, %arg0 : i32
    %jit3A = arith.constant 8 : i32
    %eq3A = arith.constant 0 : i32
    %eq3A_1 = arith.cmpi eq, %jit3A, %eq3A : i32
    %jit3A_2 = arith.constant 1 : i32
    %select_n3A = arith.select %eq3A_1, %jit3A_2, %jit3A : i32
    %rem3A = arith.remsi %add3A, %select_n3A : i32
    %ne3A = arith.constant 0 : i32
    %ne3A_3 = arith.cmpi ne, %rem3A, %ne3A : i32
    %lt3A = arith.constant 0 : i32
    %lt3A_4 = arith.cmpi slt, %rem3A, %lt3A : i32
    %lt3A_5 = arith.constant 0 : i32
    %lt3A_6 = arith.cmpi slt, %select_n3A, %lt3A_5 : i32
    %ne3A_7 = arith.xori %lt3A_4, %lt3A_6 : i1
    %and3A = arith.andi %ne3A_7, %ne3A_3 : i1
    %add3A_8 = arith.addi %rem3A, %select_n3A : i32
    %select_n3A_9 = arith.select %and3A, %add3A_8, %rem3A : i32
    %jit3A_10 = arith.constant 8 : i32
    %div3A = arith.divsi %add3A, %jit3A_10 : i32
    %sign3A = arith.constant 0 : i32
    %sign3A_11 = arith.cmpi sgt, %add3A, %sign3A : i32
    %sign3A_12 = arith.extui %sign3A_11 : i1 to i32
    %sign3A_13 = arith.constant 0 : i32
    %sign3A_14 = arith.cmpi slt, %add3A, %sign3A_13 : i32
    %sign3A_15 = arith.extui %sign3A_14 : i1 to i32
    %sign3A_16 = arith.subi %sign3A_12, %sign3A_15 : i32
    %sign3A_17 = arith.constant 0 : i32
    %sign3A_18 = arith.cmpi sgt, %jit3A_10, %sign3A_17 : i32
    %sign3A_19 = arith.extui %sign3A_18 : i1 to i32
    %sign3A_20 = arith.constant 0 : i32
    %sign3A_21 = arith.cmpi slt, %jit3A_10, %sign3A_20 : i32
    %sign3A_22 = arith.extui %sign3A_21 : i1 to i32
    %sign3A_23 = arith.subi %sign3A_19, %sign3A_22 : i32
    %ne3A_24 = arith.cmpi ne, %sign3A_16, %sign3A_23 : i32
    %rem3A_25 = arith.remsi %add3A, %jit3A_10 : i32
    %ne3A_26 = arith.constant 0 : i32
    %ne3A_27 = arith.cmpi ne, %rem3A_25, %ne3A_26 : i32
    %and3A_28 = arith.andi %ne3A_24, %ne3A_27 : i1
    %sub3A = arith.constant 1 : i32
    %sub3A_29 = arith.subi %div3A, %sub3A : i32
    %select_n3A_30 = arith.select %and3A_28, %sub3A_29, %div3A : i32
    %mul3A_31 = arith.constant 4096 : i32
    %mul3A_32 = arith.muli %select_n3A_30, %mul3A_31 : i32
    %mul3A_33 = arith.constant 8 : i32
    %mul3A_34 = arith.muli %select_n3A_9, %mul3A_33 : i32
    "tpu.region"() ({
      %run_scoped3A = tpu.sem_alloc : memref<!tpu.dma_semaphore, #tpu.memory_space<semaphore_mem>>
      %dma_start3A_75 = arith.constant 0 : i32
      %dma_start3A_76 = tpu.memref_slice %arg3[%mul3A_34, %dma_start3A_75] : memref<64x3660xf32, #tpu.memory_space<hbm>> -> memref<8x3660xf32, #tpu.memory_space<hbm>>
      %dma_start3A_77 = arith.constant 0 : i32
      %dma_start3A_78 = tpu.memref_slice %arg3[%mul3A_34, %dma_start3A_77] : memref<64x3660xf32, #tpu.memory_space<hbm>> -> memref<8x3660xf32, #tpu.memory_space<hbm>>
      tpu.enqueue_dma source(%dma_start3A_78 : memref<8x3660xf32, #tpu.memory_space<hbm>>) target(%arg5 : memref<8x3660xf32, #tpu.memory_space<vmem>>) target_semaphore(%run_scoped3A : memref<!tpu.dma_semaphore, #tpu.memory_space<semaphore_mem>>)
      %dma_wait3A_79 = arith.constant 0 : i32
      %dma_wait3A_80 = tpu.memref_slice %arg3[%mul3A_34, %dma_wait3A_79] : memref<64x3660xf32, #tpu.memory_space<hbm>> -> memref<8x3660xf32, #tpu.memory_space<hbm>>
      %dma_wait3A_81 = arith.constant 0 : i32
      %dma_wait3A_82 = tpu.memref_slice %arg3[%mul3A_34, %dma_wait3A_81] : memref<64x3660xf32, #tpu.memory_space<hbm>> -> memref<8x3660xf32, #tpu.memory_space<hbm>>
      tpu.wait_dma2 semaphore(%run_scoped3A : memref<!tpu.dma_semaphore, #tpu.memory_space<semaphore_mem>>) src(%dma_wait3A_82 : memref<8x3660xf32, #tpu.memory_space<hbm>>) dst(%arg5 : memref<8x3660xf32, #tpu.memory_space<vmem>>)
      tpu.yield
    }) : () -> ()
    %broadcast_in_dim3A = arith.constant 0 : i32
    %broadcast_in_dim3A_35 = vector.broadcast %broadcast_in_dim3A : i32 to vector<16xi32>
    %broadcast_in_dim3A_36 = arith.constant 1 : i32
    %broadcast_in_dim3A_37 = vector.broadcast %broadcast_in_dim3A_36 : i32 to vector<16xi32>
    %broadcast_in_dim3A_38 = arith.constant 2 : i32
    %broadcast_in_dim3A_39 = vector.broadcast %broadcast_in_dim3A_38 : i32 to vector<16xi32>
    %broadcast_in_dim3A_40 = arith.constant 3 : i32
    %broadcast_in_dim3A_41 = vector.broadcast %broadcast_in_dim3A_40 : i32 to vector<16xi32>
    %broadcast_in_dim3A_42 = arith.constant 4 : i32
    %broadcast_in_dim3A_43 = vector.broadcast %broadcast_in_dim3A_42 : i32 to vector<16xi32>
    %broadcast_in_dim3A_44 = arith.constant 5 : i32
    %broadcast_in_dim3A_45 = vector.broadcast %broadcast_in_dim3A_44 : i32 to vector<16xi32>
    %broadcast_in_dim3A_46 = arith.constant 6 : i32
    %broadcast_in_dim3A_47 = vector.broadcast %broadcast_in_dim3A_46 : i32 to vector<16xi32>
    %broadcast_in_dim3A_48 = arith.constant 7 : i32
    %broadcast_in_dim3A_49 = vector.broadcast %broadcast_in_dim3A_48 : i32 to vector<16xi32>
    %add3A_50 = arith.constant 0 : i32
    %add3A_51 = arith.addi %mul3A_32, %add3A_50 : i32
    %multiple_of3A = tpu.assume_multiple %add3A_51, 128 : i32
    %dma_start3A = arith.constant 0 : i32
    %dma_start3A_52 = tpu.memref_slice %arg2[%dma_start3A, %multiple_of3A] : memref<50x16384xi32, #tpu.memory_space<hbm>> -> memref<50x128xi32, #tpu.memory_space<hbm>>
    %dma_start3A_53 = arith.constant 0 : i32
    %dma_start3A_54 = tpu.memref_slice %arg2[%dma_start3A_53, %multiple_of3A] : memref<50x16384xi32, #tpu.memory_space<hbm>> -> memref<50x128xi32, #tpu.memory_space<hbm>>
    tpu.enqueue_dma source(%dma_start3A_54 : memref<50x128xi32, #tpu.memory_space<hbm>>) target(%arg6 : memref<50x128xi32, #tpu.memory_space<vmem>>) target_semaphore(%arg10 : memref<!tpu.dma_semaphore, #tpu.memory_space<semaphore_mem>>)
    %scan3A = arith.constant 0 : i32
    %scan3A_55 = arith.constant 0 : i32
    %scan3A_56 = arith.constant 16 : i32
    %scan3A_57 = arith.addi %scan3A_55, %scan3A_56 : i32
    %scan3A_58 = arith.constant 1 : i32
    scf.for %scan3A_75 = %scan3A_55 to %scan3A_57 step %scan3A_58  : i32 {
      %mul3A_76 = arith.constant 2 : i32
      %mul3A_77 = arith.muli %mul3A_76, %scan3A_75 : i32
      %dma_wait3A_78 = arith.constant 0 : i32
      %dma_wait3A_79 = arith.constant 0 : i32
      %dma_wait3A_80 = tpu.memref_slice %arg2[%dma_wait3A_78, %dma_wait3A_79] : memref<50x16384xi32, #tpu.memory_space<hbm>> -> memref<50x128xi32, #tpu.memory_space<hbm>>
      %dma_wait3A_81 = arith.constant 0 : i32
      %dma_wait3A_82 = arith.constant 0 : i32
      %dma_wait3A_83 = tpu.memref_slice %arg2[%dma_wait3A_81, %dma_wait3A_82] : memref<50x16384xi32, #tpu.memory_space<hbm>> -> memref<50x128xi32, #tpu.memory_space<hbm>>
      tpu.wait_dma2 semaphore(%arg10 : memref<!tpu.dma_semaphore, #tpu.memory_space<semaphore_mem>>) src(%dma_wait3A_83 : memref<50x128xi32, #tpu.memory_space<hbm>>) dst(%arg6 : memref<50x128xi32, #tpu.memory_space<vmem>>)
      %add3A_84 = arith.constant 1 : i32
      %add3A_85 = arith.addi %mul3A_77, %add3A_84 : i32
      %mul3A_86 = arith.constant 128 : i32
      %mul3A_87 = arith.muli %add3A_85, %mul3A_86 : i32
      %add3A_88 = arith.addi %mul3A_32, %mul3A_87 : i32
      %multiple_of3A_89 = tpu.assume_multiple %add3A_88, 128 : i32
      %dma_start3A_90 = arith.constant 0 : i32
      %dma_start3A_91 = tpu.memref_slice %arg2[%dma_start3A_90, %multiple_of3A_89] : memref<50x16384xi32, #tpu.memory_space<hbm>> -> memref<50x128xi32, #tpu.memory_space<hbm>>
      %dma_start3A_92 = arith.constant 0 : i32
      %dma_start3A_93 = tpu.memref_slice %arg2[%dma_start3A_92, %multiple_of3A_89] : memref<50x16384xi32, #tpu.memory_space<hbm>> -> memref<50x128xi32, #tpu.memory_space<hbm>>
      tpu.enqueue_dma source(%dma_start3A_93 : memref<50x128xi32, #tpu.memory_space<hbm>>) target(%arg7 : memref<50x128xi32, #tpu.memory_space<vmem>>) target_semaphore(%arg11 : memref<!tpu.dma_semaphore, #tpu.memory_space<semaphore_mem>>)
      %gt3A = arith.constant 0 : i32
      %gt3A_94 = arith.cmpi sgt, %mul3A_77, %gt3A : i32
      %convert_element_type3A = arith.extui %gt3A_94 : i1 to i32
      %cond3A = arith.constant 0 : i32
      %cond3A_95 = arith.cmpi ne, %convert_element_type3A, %cond3A : i32
      scf.if %cond3A_95 {
        %dma_wait3A_177 = arith.constant 0 : i32
        %dma_wait3A_178 = arith.constant 0 : i32
        %dma_wait3A_179 = arith.constant 0 : i32
        %dma_wait3A_180 = tpu.memref_slice %arg4[%dma_wait3A_177, %dma_wait3A_178, %dma_wait3A_179] : memref<50x64x16384xf32, #tpu.memory_space<hbm>> -> memref<25x8x128xf32, #tpu.memory_space<hbm>>
        %dma_wait3A_181 = arith.constant 0 : i32
        %dma_wait3A_182 = arith.constant 0 : i32
        %dma_wait3A_183 = arith.constant 0 : i32
        %dma_wait3A_184 = tpu.memref_slice %arg4[%dma_wait3A_181, %dma_wait3A_182, %dma_wait3A_183] : memref<50x64x16384xf32, #tpu.memory_space<hbm>> -> memref<25x8x128xf32, #tpu.memory_space<hbm>>
        tpu.wait_dma2 semaphore(%arg12 : memref<!tpu.dma_semaphore, #tpu.memory_space<semaphore_mem>>) src(%arg8 : memref<25x8x128xf32, #tpu.memory_space<vmem>>) dst(%dma_wait3A_184 : memref<25x8x128xf32, #tpu.memory_space<hbm>>)
      } else {
      }
      %parallel_loop3A = arith.constant 0 : i32
      %parallel_loop3A_96 = arith.constant 200 : i32
      %parallel_loop3A_97 = arith.constant 1 : i32
      scf.for %parallel_loop3A_177 = %parallel_loop3A to %parallel_loop3A_96 step %parallel_loop3A_97  : i32 {
        %parallel_loop3A_178 = arith.constant 8 : i32
        %parallel_loop3A_179 = arith.divsi %parallel_loop3A_177, %parallel_loop3A_178 : i32
        %parallel_loop3A_180 = arith.constant 0 : i32
        %parallel_loop3A_181 = arith.cmpi sgt, %parallel_loop3A_177, %parallel_loop3A_180 : i32
        %parallel_loop3A_182 = arith.extui %parallel_loop3A_181 : i1 to i32
        %parallel_loop3A_183 = arith.constant 0 : i32
        %parallel_loop3A_184 = arith.cmpi slt, %parallel_loop3A_177, %parallel_loop3A_183 : i32
        %parallel_loop3A_185 = arith.extui %parallel_loop3A_184 : i1 to i32
        %parallel_loop3A_186 = arith.subi %parallel_loop3A_182, %parallel_loop3A_185 : i32
        %parallel_loop3A_187 = arith.constant 0 : i32
        %parallel_loop3A_188 = arith.cmpi sgt, %parallel_loop3A_178, %parallel_loop3A_187 : i32
        %parallel_loop3A_189 = arith.extui %parallel_loop3A_188 : i1 to i32
        %parallel_loop3A_190 = arith.constant 0 : i32
        %parallel_loop3A_191 = arith.cmpi slt, %parallel_loop3A_178, %parallel_loop3A_190 : i32
        %parallel_loop3A_192 = arith.extui %parallel_loop3A_191 : i1 to i32
        %parallel_loop3A_193 = arith.subi %parallel_loop3A_189, %parallel_loop3A_192 : i32
        %parallel_loop3A_194 = arith.cmpi ne, %parallel_loop3A_186, %parallel_loop3A_193 : i32
        %parallel_loop3A_195 = arith.remsi %parallel_loop3A_177, %parallel_loop3A_178 : i32
        %parallel_loop3A_196 = arith.constant 0 : i32
        %parallel_loop3A_197 = arith.cmpi ne, %parallel_loop3A_195, %parallel_loop3A_196 : i32
        %parallel_loop3A_198 = arith.andi %parallel_loop3A_194, %parallel_loop3A_197 : i1
        %parallel_loop3A_199 = arith.constant 1 : i32
        %parallel_loop3A_200 = arith.subi %parallel_loop3A_179, %parallel_loop3A_199 : i32
        %parallel_loop3A_201 = arith.select %parallel_loop3A_198, %parallel_loop3A_200, %parallel_loop3A_179 : i32
        %parallel_loop3A_202 = arith.constant 8 : i32
        %parallel_loop3A_203 = arith.constant 0 : i32
        %parallel_loop3A_204 = arith.cmpi eq, %parallel_loop3A_202, %parallel_loop3A_203 : i32
        %parallel_loop3A_205 = arith.constant 1 : i32
        %parallel_loop3A_206 = arith.select %parallel_loop3A_204, %parallel_loop3A_205, %parallel_loop3A_202 : i32
        %parallel_loop3A_207 = arith.remsi %parallel_loop3A_177, %parallel_loop3A_206 : i32
        %parallel_loop3A_208 = arith.constant 0 : i32
        %parallel_loop3A_209 = arith.cmpi ne, %parallel_loop3A_207, %parallel_loop3A_208 : i32
        %parallel_loop3A_210 = arith.constant 0 : i32
        %parallel_loop3A_211 = arith.cmpi slt, %parallel_loop3A_207, %parallel_loop3A_210 : i32
        %parallel_loop3A_212 = arith.constant 0 : i32
        %parallel_loop3A_213 = arith.cmpi slt, %parallel_loop3A_206, %parallel_loop3A_212 : i32
        %parallel_loop3A_214 = arith.xori %parallel_loop3A_211, %parallel_loop3A_213 : i1
        %parallel_loop3A_215 = arith.andi %parallel_loop3A_214, %parallel_loop3A_209 : i1
        %parallel_loop3A_216 = arith.addi %parallel_loop3A_207, %parallel_loop3A_206 : i32
        %parallel_loop3A_217 = arith.select %parallel_loop3A_215, %parallel_loop3A_216, %parallel_loop3A_207 : i32
        %parallel_loop3A_218 = arith.constant 0 : i32
        %parallel_loop3A_219 = arith.addi %parallel_loop3A_218, %parallel_loop3A_201 : i32
        %parallel_loop3A_220 = arith.constant 16 : i32
        %parallel_loop3A_221 = arith.muli %parallel_loop3A_217, %parallel_loop3A_220 : i32
        %parallel_loop3A_222 = arith.index_cast %parallel_loop3A_219 : i32 to index
        %parallel_loop3A_223 = arith.index_cast %parallel_loop3A_221 : i32 to index
        %parallel_loop3A_224 = tpu.vector_load %arg6[%parallel_loop3A_222, %parallel_loop3A_223] {strides = array<i32>} : memref<50x128xi32, #tpu.memory_space<vmem>>, vector<16xi32>,
        %parallel_loop3A_225 = tpu.vector_load_idx %arg5[%broadcast_in_dim3A_35, %parallel_loop3A_224] : memref<8x3660xf32, #tpu.memory_space<vmem>>[vector<16xi32>, vector<16xi32>], vector<16xf32>,
        %parallel_loop3A_226 = arith.constant 16 : i32
        %parallel_loop3A_227 = arith.muli %parallel_loop3A_217, %parallel_loop3A_226 : i32
        %parallel_loop3A_228 = arith.constant 0 : i32
        %parallel_loop3A_229 = arith.index_cast %parallel_loop3A_201 : i32 to index
        %parallel_loop3A_230 = arith.index_cast %parallel_loop3A_228 : i32 to index
        %parallel_loop3A_231 = arith.index_cast %parallel_loop3A_227 : i32 to index
        %parallel_loop3A_232 = tpu.vector_load %arg8[%parallel_loop3A_229, %parallel_loop3A_230, %parallel_loop3A_231] {strides = array<i32>} : memref<25x8x128xf32, #tpu.memory_space<vmem>>, vector<16xf32>,
        tpu.vector_store %arg8[%parallel_loop3A_229, %parallel_loop3A_230, %parallel_loop3A_231], %parallel_loop3A_225 {strides = array<i32>} : memref<25x8x128xf32, #tpu.memory_space<vmem>>, vector<16xf32>,
        %parallel_loop3A_233 = tpu.vector_load_idx %arg5[%broadcast_in_dim3A_37, %parallel_loop3A_224] : memref<8x3660xf32, #tpu.memory_space<vmem>>[vector<16xi32>, vector<16xi32>], vector<16xf32>,
        %parallel_loop3A_234 = arith.constant 16 : i32
        %parallel_loop3A_235 = arith.muli %parallel_loop3A_217, %parallel_loop3A_234 : i32
        %parallel_loop3A_236 = arith.constant 1 : i32
        %parallel_loop3A_237 = arith.index_cast %parallel_loop3A_201 : i32 to index
        %parallel_loop3A_238 = arith.index_cast %parallel_loop3A_236 : i32 to index
        %parallel_loop3A_239 = arith.index_cast %parallel_loop3A_235 : i32 to index
        %parallel_loop3A_240 = tpu.vector_load %arg8[%parallel_loop3A_237, %parallel_loop3A_238, %parallel_loop3A_239] {strides = array<i32>} : memref<25x8x128xf32, #tpu.memory_space<vmem>>, vector<16xf32>,
        tpu.vector_store %arg8[%parallel_loop3A_237, %parallel_loop3A_238, %parallel_loop3A_239], %parallel_loop3A_233 {strides = array<i32>} : memref<25x8x128xf32, #tpu.memory_space<vmem>>, vector<16xf32>,
        %parallel_loop3A_241 = tpu.vector_load_idx %arg5[%broadcast_in_dim3A_39, %parallel_loop3A_224] : memref<8x3660xf32, #tpu.memory_space<vmem>>[vector<16xi32>, vector<16xi32>], vector<16xf32>,
        %parallel_loop3A_242 = arith.constant 16 : i32
        %parallel_loop3A_243 = arith.muli %parallel_loop3A_217, %parallel_loop3A_242 : i32
        %parallel_loop3A_244 = arith.constant 2 : i32
        %parallel_loop3A_245 = arith.index_cast %parallel_loop3A_201 : i32 to index
        %parallel_loop3A_246 = arith.index_cast %parallel_loop3A_244 : i32 to index
        %parallel_loop3A_247 = arith.index_cast %parallel_loop3A_243 : i32 to index
        %parallel_loop3A_248 = tpu.vector_load %arg8[%parallel_loop3A_245, %parallel_loop3A_246, %parallel_loop3A_247] {strides = array<i32>} : memref<25x8x128xf32, #tpu.memory_space<vmem>>, vector<16xf32>,
        tpu.vector_store %arg8[%parallel_loop3A_245, %parallel_loop3A_246, %parallel_loop3A_247], %parallel_loop3A_241 {strides = array<i32>} : memref<25x8x128xf32, #tpu.memory_space<vmem>>, vector<16xf32>,
        %parallel_loop3A_249 = tpu.vector_load_idx %arg5[%broadcast_in_dim3A_41, %parallel_loop3A_224] : memref<8x3660xf32, #tpu.memory_space<vmem>>[vector<16xi32>, vector<16xi32>], vector<16xf32>,
        %parallel_loop3A_250 = arith.constant 16 : i32
        %parallel_loop3A_251 = arith.muli %parallel_loop3A_217, %parallel_loop3A_250 : i32
        %parallel_loop3A_252 = arith.constant 3 : i32
        %parallel_loop3A_253 = arith.index_cast %parallel_loop3A_201 : i32 to index
        %parallel_loop3A_254 = arith.index_cast %parallel_loop3A_252 : i32 to index
        %parallel_loop3A_255 = arith.index_cast %parallel_loop3A_251 : i32 to index
        %parallel_loop3A_256 = tpu.vector_load %arg8[%parallel_loop3A_253, %parallel_loop3A_254, %parallel_loop3A_255] {strides = array<i32>} : memref<25x8x128xf32, #tpu.memory_space<vmem>>, vector<16xf32>,
        tpu.vector_store %arg8[%parallel_loop3A_253, %parallel_loop3A_254, %parallel_loop3A_255], %parallel_loop3A_249 {strides = array<i32>} : memref<25x8x128xf32, #tpu.memory_space<vmem>>, vector<16xf32>,
        %parallel_loop3A_257 = tpu.vector_load_idx %arg5[%broadcast_in_dim3A_43, %parallel_loop3A_224] : memref<8x3660xf32, #tpu.memory_space<vmem>>[vector<16xi32>, vector<16xi32>], vector<16xf32>,
        %parallel_loop3A_258 = arith.constant 16 : i32
        %parallel_loop3A_259 = arith.muli %parallel_loop3A_217, %parallel_loop3A_258 : i32
        %parallel_loop3A_260 = arith.constant 4 : i32
        %parallel_loop3A_261 = arith.index_cast %parallel_loop3A_201 : i32 to index
        %parallel_loop3A_262 = arith.index_cast %parallel_loop3A_260 : i32 to index
        %parallel_loop3A_263 = arith.index_cast %parallel_loop3A_259 : i32 to index
        %parallel_loop3A_264 = tpu.vector_load %arg8[%parallel_loop3A_261, %parallel_loop3A_262, %parallel_loop3A_263] {strides = array<i32>} : memref<25x8x128xf32, #tpu.memory_space<vmem>>, vector<16xf32>,
        tpu.vector_store %arg8[%parallel_loop3A_261, %parallel_loop3A_262, %parallel_loop3A_263], %parallel_loop3A_257 {strides = array<i32>} : memref<25x8x128xf32, #tpu.memory_space<vmem>>, vector<16xf32>,
        %parallel_loop3A_265 = tpu.vector_load_idx %arg5[%broadcast_in_dim3A_45, %parallel_loop3A_224] : memref<8x3660xf32, #tpu.memory_space<vmem>>[vector<16xi32>, vector<16xi32>], vector<16xf32>,
        %parallel_loop3A_266 = arith.constant 16 : i32
        %parallel_loop3A_267 = arith.muli %parallel_loop3A_217, %parallel_loop3A_266 : i32
        %parallel_loop3A_268 = arith.constant 5 : i32
        %parallel_loop3A_269 = arith.index_cast %parallel_loop3A_201 : i32 to index
        %parallel_loop3A_270 = arith.index_cast %parallel_loop3A_268 : i32 to index
        %parallel_loop3A_271 = arith.index_cast %parallel_loop3A_267 : i32 to index
        %parallel_loop3A_272 = tpu.vector_load %arg8[%parallel_loop3A_269, %parallel_loop3A_270, %parallel_loop3A_271] {strides = array<i32>} : memref<25x8x128xf32, #tpu.memory_space<vmem>>, vector<16xf32>,
        tpu.vector_store %arg8[%parallel_loop3A_269, %parallel_loop3A_270, %parallel_loop3A_271], %parallel_loop3A_265 {strides = array<i32>} : memref<25x8x128xf32, #tpu.memory_space<vmem>>, vector<16xf32>,
        %parallel_loop3A_273 = tpu.vector_load_idx %arg5[%broadcast_in_dim3A_47, %parallel_loop3A_224] : memref<8x3660xf32, #tpu.memory_space<vmem>>[vector<16xi32>, vector<16xi32>], vector<16xf32>,
        %parallel_loop3A_274 = arith.constant 16 : i32
        %parallel_loop3A_275 = arith.muli %parallel_loop3A_217, %parallel_loop3A_274 : i32
        %parallel_loop3A_276 = arith.constant 6 : i32
        %parallel_loop3A_277 = arith.index_cast %parallel_loop3A_201 : i32 to index
        %parallel_loop3A_278 = arith.index_cast %parallel_loop3A_276 : i32 to index
        %parallel_loop3A_279 = arith.index_cast %parallel_loop3A_275 : i32 to index
        %parallel_loop3A_280 = tpu.vector_load %arg8[%parallel_loop3A_277, %parallel_loop3A_278, %parallel_loop3A_279] {strides = array<i32>} : memref<25x8x128xf32, #tpu.memory_space<vmem>>, vector<16xf32>,
        tpu.vector_store %arg8[%parallel_loop3A_277, %parallel_loop3A_278, %parallel_loop3A_279], %parallel_loop3A_273 {strides = array<i32>} : memref<25x8x128xf32, #tpu.memory_space<vmem>>, vector<16xf32>,
        %parallel_loop3A_281 = tpu.vector_load_idx %arg5[%broadcast_in_dim3A_49, %parallel_loop3A_224] : memref<8x3660xf32, #tpu.memory_space<vmem>>[vector<16xi32>, vector<16xi32>], vector<16xf32>,
        %parallel_loop3A_282 = arith.constant 16 : i32
        %parallel_loop3A_283 = arith.muli %parallel_loop3A_217, %parallel_loop3A_282 : i32
        %parallel_loop3A_284 = arith.constant 7 : i32
        %parallel_loop3A_285 = arith.index_cast %parallel_loop3A_201 : i32 to index
        %parallel_loop3A_286 = arith.index_cast %parallel_loop3A_284 : i32 to index
        %parallel_loop3A_287 = arith.index_cast %parallel_loop3A_283 : i32 to index
        %parallel_loop3A_288 = tpu.vector_load %arg8[%parallel_loop3A_285, %parallel_loop3A_286, %parallel_loop3A_287] {strides = array<i32>} : memref<25x8x128xf32, #tpu.memory_space<vmem>>, vector<16xf32>,
        tpu.vector_store %arg8[%parallel_loop3A_285, %parallel_loop3A_286, %parallel_loop3A_287], %parallel_loop3A_281 {strides = array<i32>} : memref<25x8x128xf32, #tpu.memory_space<vmem>>, vector<16xf32>,
      } {sc.loop_unroll_factor = 2 : i64, sc.parallel_access}
      %mul3A_98 = arith.constant 8 : i32
      %mul3A_99 = arith.muli %select_n3A_9, %mul3A_98 : i32
      %mul3A_100 = arith.constant 128 : i32
      %mul3A_101 = arith.muli %mul3A_77, %mul3A_100 : i32
      %add3A_102 = arith.addi %mul3A_32, %mul3A_101 : i32
      %multiple_of3A_103 = tpu.assume_multiple %add3A_102, 128 : i32
      %dma_start3A_104 = arith.constant 0 : i32
      %dma_start3A_105 = tpu.memref_slice %arg4[%dma_start3A_104, %mul3A_99, %multiple_of3A_103] : memref<50x64x16384xf32, #tpu.memory_space<hbm>> -> memref<25x8x128xf32, #tpu.memory_space<hbm>>
      %dma_start3A_106 = arith.constant 0 : i32
      %dma_start3A_107 = tpu.memref_slice %arg4[%dma_start3A_106, %mul3A_99, %multiple_of3A_103] : memref<50x64x16384xf32, #tpu.memory_space<hbm>> -> memref<25x8x128xf32, #tpu.memory_space<hbm>>
      tpu.enqueue_dma source(%arg8 : memref<25x8x128xf32, #tpu.memory_space<vmem>>) target(%dma_start3A_107 : memref<25x8x128xf32, #tpu.memory_space<hbm>>) target_semaphore(%arg12 : memref<!tpu.dma_semaphore, #tpu.memory_space<semaphore_mem>>)
      %gt3A_108 = arith.constant 0 : i32
      %gt3A_109 = arith.cmpi sgt, %mul3A_77, %gt3A_108 : i32
      %convert_element_type3A_110 = arith.extui %gt3A_109 : i1 to i32
      %cond3A_111 = arith.constant 0 : i32
      %cond3A_112 = arith.cmpi ne, %convert_element_type3A_110, %cond3A_111 : i32
      scf.if %cond3A_112 {
        %dma_wait3A_177 = arith.constant 0 : i32
        %dma_wait3A_178 = arith.constant 0 : i32
        %dma_wait3A_179 = arith.constant 0 : i32
        %dma_wait3A_180 = tpu.memref_slice %arg4[%dma_wait3A_177, %dma_wait3A_178, %dma_wait3A_179] : memref<50x64x16384xf32, #tpu.memory_space<hbm>> -> memref<25x8x128xf32, #tpu.memory_space<hbm>>
        %dma_wait3A_181 = arith.constant 0 : i32
        %dma_wait3A_182 = arith.constant 0 : i32
        %dma_wait3A_183 = arith.constant 0 : i32
        %dma_wait3A_184 = tpu.memref_slice %arg4[%dma_wait3A_181, %dma_wait3A_182, %dma_wait3A_183] : memref<50x64x16384xf32, #tpu.memory_space<hbm>> -> memref<25x8x128xf32, #tpu.memory_space<hbm>>
        tpu.wait_dma2 semaphore(%arg13 : memref<!tpu.dma_semaphore, #tpu.memory_space<semaphore_mem>>) src(%arg9 : memref<25x8x128xf32, #tpu.memory_space<vmem>>) dst(%dma_wait3A_184 : memref<25x8x128xf32, #tpu.memory_space<hbm>>)
      } else {
      }
      %parallel_loop3A_113 = arith.constant 0 : i32
      %parallel_loop3A_114 = arith.constant 200 : i32
      %parallel_loop3A_115 = arith.constant 1 : i32
      scf.for %parallel_loop3A_177 = %parallel_loop3A_113 to %parallel_loop3A_114 step %parallel_loop3A_115  : i32 {
        %parallel_loop3A_178 = arith.constant 8 : i32
        %parallel_loop3A_179 = arith.divsi %parallel_loop3A_177, %parallel_loop3A_178 : i32
        %parallel_loop3A_180 = arith.constant 0 : i32
        %parallel_loop3A_181 = arith.cmpi sgt, %parallel_loop3A_177, %parallel_loop3A_180 : i32
        %parallel_loop3A_182 = arith.extui %parallel_loop3A_181 : i1 to i32
        %parallel_loop3A_183 = arith.constant 0 : i32
        %parallel_loop3A_184 = arith.cmpi slt, %parallel_loop3A_177, %parallel_loop3A_183 : i32
        %parallel_loop3A_185 = arith.extui %parallel_loop3A_184 : i1 to i32
        %parallel_loop3A_186 = arith.subi %parallel_loop3A_182, %parallel_loop3A_185 : i32
        %parallel_loop3A_187 = arith.constant 0 : i32
        %parallel_loop3A_188 = arith.cmpi sgt, %parallel_loop3A_178, %parallel_loop3A_187 : i32
        %parallel_loop3A_189 = arith.extui %parallel_loop3A_188 : i1 to i32
        %parallel_loop3A_190 = arith.constant 0 : i32
        %parallel_loop3A_191 = arith.cmpi slt, %parallel_loop3A_178, %parallel_loop3A_190 : i32
        %parallel_loop3A_192 = arith.extui %parallel_loop3A_191 : i1 to i32
        %parallel_loop3A_193 = arith.subi %parallel_loop3A_189, %parallel_loop3A_192 : i32
        %parallel_loop3A_194 = arith.cmpi ne, %parallel_loop3A_186, %parallel_loop3A_193 : i32
        %parallel_loop3A_195 = arith.remsi %parallel_loop3A_177, %parallel_loop3A_178 : i32
        %parallel_loop3A_196 = arith.constant 0 : i32
        %parallel_loop3A_197 = arith.cmpi ne, %parallel_loop3A_195, %parallel_loop3A_196 : i32
        %parallel_loop3A_198 = arith.andi %parallel_loop3A_194, %parallel_loop3A_197 : i1
        %parallel_loop3A_199 = arith.constant 1 : i32
        %parallel_loop3A_200 = arith.subi %parallel_loop3A_179, %parallel_loop3A_199 : i32
        %parallel_loop3A_201 = arith.select %parallel_loop3A_198, %parallel_loop3A_200, %parallel_loop3A_179 : i32
        %parallel_loop3A_202 = arith.constant 8 : i32
        %parallel_loop3A_203 = arith.constant 0 : i32
        %parallel_loop3A_204 = arith.cmpi eq, %parallel_loop3A_202, %parallel_loop3A_203 : i32
        %parallel_loop3A_205 = arith.constant 1 : i32
        %parallel_loop3A_206 = arith.select %parallel_loop3A_204, %parallel_loop3A_205, %parallel_loop3A_202 : i32
        %parallel_loop3A_207 = arith.remsi %parallel_loop3A_177, %parallel_loop3A_206 : i32
        %parallel_loop3A_208 = arith.constant 0 : i32
        %parallel_loop3A_209 = arith.cmpi ne, %parallel_loop3A_207, %parallel_loop3A_208 : i32
        %parallel_loop3A_210 = arith.constant 0 : i32
        %parallel_loop3A_211 = arith.cmpi slt, %parallel_loop3A_207, %parallel_loop3A_210 : i32
        %parallel_loop3A_212 = arith.constant 0 : i32
        %parallel_loop3A_213 = arith.cmpi slt, %parallel_loop3A_206, %parallel_loop3A_212 : i32
        %parallel_loop3A_214 = arith.xori %parallel_loop3A_211, %parallel_loop3A_213 : i1
        %parallel_loop3A_215 = arith.andi %parallel_loop3A_214, %parallel_loop3A_209 : i1
        %parallel_loop3A_216 = arith.addi %parallel_loop3A_207, %parallel_loop3A_206 : i32
        %parallel_loop3A_217 = arith.select %parallel_loop3A_215, %parallel_loop3A_216, %parallel_loop3A_207 : i32
        %parallel_loop3A_218 = arith.constant 25 : i32
        %parallel_loop3A_219 = arith.addi %parallel_loop3A_218, %parallel_loop3A_201 : i32
        %parallel_loop3A_220 = arith.constant 16 : i32
        %parallel_loop3A_221 = arith.muli %parallel_loop3A_217, %parallel_loop3A_220 : i32
        %parallel_loop3A_222 = arith.index_cast %parallel_loop3A_219 : i32 to index
        %parallel_loop3A_223 = arith.index_cast %parallel_loop3A_221 : i32 to index
        %parallel_loop3A_224 = tpu.vector_load %arg6[%parallel_loop3A_222, %parallel_loop3A_223] {strides = array<i32>} : memref<50x128xi32, #tpu.memory_space<vmem>>, vector<16xi32>,
        %parallel_loop3A_225 = tpu.vector_load_idx %arg5[%broadcast_in_dim3A_35, %parallel_loop3A_224] : memref<8x3660xf32, #tpu.memory_space<vmem>>[vector<16xi32>, vector<16xi32>], vector<16xf32>,
        %parallel_loop3A_226 = arith.constant 16 : i32
        %parallel_loop3A_227 = arith.muli %parallel_loop3A_217, %parallel_loop3A_226 : i32
        %parallel_loop3A_228 = arith.constant 0 : i32
        %parallel_loop3A_229 = arith.index_cast %parallel_loop3A_201 : i32 to index
        %parallel_loop3A_230 = arith.index_cast %parallel_loop3A_228 : i32 to index
        %parallel_loop3A_231 = arith.index_cast %parallel_loop3A_227 : i32 to index
        %parallel_loop3A_232 = tpu.vector_load %arg9[%parallel_loop3A_229, %parallel_loop3A_230, %parallel_loop3A_231] {strides = array<i32>} : memref<25x8x128xf32, #tpu.memory_space<vmem>>, vector<16xf32>,
        tpu.vector_store %arg9[%parallel_loop3A_229, %parallel_loop3A_230, %parallel_loop3A_231], %parallel_loop3A_225 {strides = array<i32>} : memref<25x8x128xf32, #tpu.memory_space<vmem>>, vector<16xf32>,
        %parallel_loop3A_233 = tpu.vector_load_idx %arg5[%broadcast_in_dim3A_37, %parallel_loop3A_224] : memref<8x3660xf32, #tpu.memory_space<vmem>>[vector<16xi32>, vector<16xi32>], vector<16xf32>,
        %parallel_loop3A_234 = arith.constant 16 : i32
        %parallel_loop3A_235 = arith.muli %parallel_loop3A_217, %parallel_loop3A_234 : i32
        %parallel_loop3A_236 = arith.constant 1 : i32
        %parallel_loop3A_237 = arith.index_cast %parallel_loop3A_201 : i32 to index
        %parallel_loop3A_238 = arith.index_cast %parallel_loop3A_236 : i32 to index
        %parallel_loop3A_239 = arith.index_cast %parallel_loop3A_235 : i32 to index
        %parallel_loop3A_240 = tpu.vector_load %arg9[%parallel_loop3A_237, %parallel_loop3A_238, %parallel_loop3A_239] {strides = array<i32>} : memref<25x8x128xf32, #tpu.memory_space<vmem>>, vector<16xf32>,
        tpu.vector_store %arg9[%parallel_loop3A_237, %parallel_loop3A_238, %parallel_loop3A_239], %parallel_loop3A_233 {strides = array<i32>} : memref<25x8x128xf32, #tpu.memory_space<vmem>>, vector<16xf32>,
        %parallel_loop3A_241 = tpu.vector_load_idx %arg5[%broadcast_in_dim3A_39, %parallel_loop3A_224] : memref<8x3660xf32, #tpu.memory_space<vmem>>[vector<16xi32>, vector<16xi32>], vector<16xf32>,
        %parallel_loop3A_242 = arith.constant 16 : i32
        %parallel_loop3A_243 = arith.muli %parallel_loop3A_217, %parallel_loop3A_242 : i32
        %parallel_loop3A_244 = arith.constant 2 : i32
        %parallel_loop3A_245 = arith.index_cast %parallel_loop3A_201 : i32 to index
        %parallel_loop3A_246 = arith.index_cast %parallel_loop3A_244 : i32 to index
        %parallel_loop3A_247 = arith.index_cast %parallel_loop3A_243 : i32 to index
        %parallel_loop3A_248 = tpu.vector_load %arg9[%parallel_loop3A_245, %parallel_loop3A_246, %parallel_loop3A_247] {strides = array<i32>} : memref<25x8x128xf32, #tpu.memory_space<vmem>>, vector<16xf32>,
        tpu.vector_store %arg9[%parallel_loop3A_245, %parallel_loop3A_246, %parallel_loop3A_247], %parallel_loop3A_241 {strides = array<i32>} : memref<25x8x128xf32, #tpu.memory_space<vmem>>, vector<16xf32>,
        %parallel_loop3A_249 = tpu.vector_load_idx %arg5[%broadcast_in_dim3A_41, %parallel_loop3A_224] : memref<8x3660xf32, #tpu.memory_space<vmem>>[vector<16xi32>, vector<16xi32>], vector<16xf32>,
        %parallel_loop3A_250 = arith.constant 16 : i32
        %parallel_loop3A_251 = arith.muli %parallel_loop3A_217, %parallel_loop3A_250 : i32
        %parallel_loop3A_252 = arith.constant 3 : i32
        %parallel_loop3A_253 = arith.index_cast %parallel_loop3A_201 : i32 to index
        %parallel_loop3A_254 = arith.index_cast %parallel_loop3A_252 : i32 to index
        %parallel_loop3A_255 = arith.index_cast %parallel_loop3A_251 : i32 to index
        %parallel_loop3A_256 = tpu.vector_load %arg9[%parallel_loop3A_253, %parallel_loop3A_254, %parallel_loop3A_255] {strides = array<i32>} : memref<25x8x128xf32, #tpu.memory_space<vmem>>, vector<16xf32>,
        tpu.vector_store %arg9[%parallel_loop3A_253, %parallel_loop3A_254, %parallel_loop3A_255], %parallel_loop3A_249 {strides = array<i32>} : memref<25x8x128xf32, #tpu.memory_space<vmem>>, vector<16xf32>,
        %parallel_loop3A_257 = tpu.vector_load_idx %arg5[%broadcast_in_dim3A_43, %parallel_loop3A_224] : memref<8x3660xf32, #tpu.memory_space<vmem>>[vector<16xi32>, vector<16xi32>], vector<16xf32>,
        %parallel_loop3A_258 = arith.constant 16 : i32
        %parallel_loop3A_259 = arith.muli %parallel_loop3A_217, %parallel_loop3A_258 : i32
        %parallel_loop3A_260 = arith.constant 4 : i32
        %parallel_loop3A_261 = arith.index_cast %parallel_loop3A_201 : i32 to index
        %parallel_loop3A_262 = arith.index_cast %parallel_loop3A_260 : i32 to index
        %parallel_loop3A_263 = arith.index_cast %parallel_loop3A_259 : i32 to index
        %parallel_loop3A_264 = tpu.vector_load %arg9[%parallel_loop3A_261, %parallel_loop3A_262, %parallel_loop3A_263] {strides = array<i32>} : memref<25x8x128xf32, #tpu.memory_space<vmem>>, vector<16xf32>,
        tpu.vector_store %arg9[%parallel_loop3A_261, %parallel_loop3A_262, %parallel_loop3A_263], %parallel_loop3A_257 {strides = array<i32>} : memref<25x8x128xf32, #tpu.memory_space<vmem>>, vector<16xf32>,
        %parallel_loop3A_265 = tpu.vector_load_idx %arg5[%broadcast_in_dim3A_45, %parallel_loop3A_224] : memref<8x3660xf32, #tpu.memory_space<vmem>>[vector<16xi32>, vector<16xi32>], vector<16xf32>,
        %parallel_loop3A_266 = arith.constant 16 : i32
        %parallel_loop3A_267 = arith.muli %parallel_loop3A_217, %parallel_loop3A_266 : i32
        %parallel_loop3A_268 = arith.constant 5 : i32
        %parallel_loop3A_269 = arith.index_cast %parallel_loop3A_201 : i32 to index
        %parallel_loop3A_270 = arith.index_cast %parallel_loop3A_268 : i32 to index
        %parallel_loop3A_271 = arith.index_cast %parallel_loop3A_267 : i32 to index
        %parallel_loop3A_272 = tpu.vector_load %arg9[%parallel_loop3A_269, %parallel_loop3A_270, %parallel_loop3A_271] {strides = array<i32>} : memref<25x8x128xf32, #tpu.memory_space<vmem>>, vector<16xf32>,
        tpu.vector_store %arg9[%parallel_loop3A_269, %parallel_loop3A_270, %parallel_loop3A_271], %parallel_loop3A_265 {strides = array<i32>} : memref<25x8x128xf32, #tpu.memory_space<vmem>>, vector<16xf32>,
        %parallel_loop3A_273 = tpu.vector_load_idx %arg5[%broadcast_in_dim3A_47, %parallel_loop3A_224] : memref<8x3660xf32, #tpu.memory_space<vmem>>[vector<16xi32>, vector<16xi32>], vector<16xf32>,
        %parallel_loop3A_274 = arith.constant 16 : i32
        %parallel_loop3A_275 = arith.muli %parallel_loop3A_217, %parallel_loop3A_274 : i32
        %parallel_loop3A_276 = arith.constant 6 : i32
        %parallel_loop3A_277 = arith.index_cast %parallel_loop3A_201 : i32 to index
        %parallel_loop3A_278 = arith.index_cast %parallel_loop3A_276 : i32 to index
        %parallel_loop3A_279 = arith.index_cast %parallel_loop3A_275 : i32 to index
        %parallel_loop3A_280 = tpu.vector_load %arg9[%parallel_loop3A_277, %parallel_loop3A_278, %parallel_loop3A_279] {strides = array<i32>} : memref<25x8x128xf32, #tpu.memory_space<vmem>>, vector<16xf32>,
        tpu.vector_store %arg9[%parallel_loop3A_277, %parallel_loop3A_278, %parallel_loop3A_279], %parallel_loop3A_273 {strides = array<i32>} : memref<25x8x128xf32, #tpu.memory_space<vmem>>, vector<16xf32>,
        %parallel_loop3A_281 = tpu.vector_load_idx %arg5[%broadcast_in_dim3A_49, %parallel_loop3A_224] : memref<8x3660xf32, #tpu.memory_space<vmem>>[vector<16xi32>, vector<16xi32>], vector<16xf32>,
        %parallel_loop3A_282 = arith.constant 16 : i32
        %parallel_loop3A_283 = arith.muli %parallel_loop3A_217, %parallel_loop3A_282 : i32
        %parallel_loop3A_284 = arith.constant 7 : i32
        %parallel_loop3A_285 = arith.index_cast %parallel_loop3A_201 : i32 to index
        %parallel_loop3A_286 = arith.index_cast %parallel_loop3A_284 : i32 to index
        %parallel_loop3A_287 = arith.index_cast %parallel_loop3A_283 : i32 to index
        %parallel_loop3A_288 = tpu.vector_load %arg9[%parallel_loop3A_285, %parallel_loop3A_286, %parallel_loop3A_287] {strides = array<i32>} : memref<25x8x128xf32, #tpu.memory_space<vmem>>, vector<16xf32>,
        tpu.vector_store %arg9[%parallel_loop3A_285, %parallel_loop3A_286, %parallel_loop3A_287], %parallel_loop3A_281 {strides = array<i32>} : memref<25x8x128xf32, #tpu.memory_space<vmem>>, vector<16xf32>,
      } {sc.loop_unroll_factor = 2 : i64, sc.parallel_access}
      %mul3A_116 = arith.constant 8 : i32
      %mul3A_117 = arith.muli %select_n3A_9, %mul3A_116 : i32
      %mul3A_118 = arith.constant 128 : i32
      %mul3A_119 = arith.muli %mul3A_77, %mul3A_118 : i32
      %add3A_120 = arith.addi %mul3A_32, %mul3A_119 : i32
      %multiple_of3A_121 = tpu.assume_multiple %add3A_120, 128 : i32
      %dma_start3A_122 = arith.constant 25 : i32
      %dma_start3A_123 = tpu.memref_slice %arg4[%dma_start3A_122, %mul3A_117, %multiple_of3A_121] : memref<50x64x16384xf32, #tpu.memory_space<hbm>> -> memref<25x8x128xf32, #tpu.memory_space<hbm>>
      %dma_start3A_124 = arith.constant 25 : i32
      %dma_start3A_125 = tpu.memref_slice %arg4[%dma_start3A_124, %mul3A_117, %multiple_of3A_121] : memref<50x64x16384xf32, #tpu.memory_space<hbm>> -> memref<25x8x128xf32, #tpu.memory_space<hbm>>
      tpu.enqueue_dma source(%arg9 : memref<25x8x128xf32, #tpu.memory_space<vmem>>) target(%dma_start3A_125 : memref<25x8x128xf32, #tpu.memory_space<hbm>>) target_semaphore(%arg13 : memref<!tpu.dma_semaphore, #tpu.memory_space<semaphore_mem>>)
      %dma_wait3A_126 = arith.constant 0 : i32
      %dma_wait3A_127 = arith.constant 0 : i32
      %dma_wait3A_128 = tpu.memref_slice %arg2[%dma_wait3A_126, %dma_wait3A_127] : memref<50x16384xi32, #tpu.memory_space<hbm>> -> memref<50x128xi32, #tpu.memory_space<hbm>>
      %dma_wait3A_129 = arith.constant 0 : i32
      %dma_wait3A_130 = arith.constant 0 : i32
      %dma_wait3A_131 = tpu.memref_slice %arg2[%dma_wait3A_129, %dma_wait3A_130] : memref<50x16384xi32, #tpu.memory_space<hbm>> -> memref<50x128xi32, #tpu.memory_space<hbm>>
      tpu.wait_dma2 semaphore(%arg11 : memref<!tpu.dma_semaphore, #tpu.memory_space<semaphore_mem>>) src(%dma_wait3A_131 : memref<50x128xi32, #tpu.memory_space<hbm>>) dst(%arg7 : memref<50x128xi32, #tpu.memory_space<vmem>>)
      %add3A_132 = arith.constant 1 : i32
      %add3A_133 = arith.addi %scan3A_75, %add3A_132 : i32
      %lt3A_134 = arith.constant 16 : i32
      %lt3A_135 = arith.cmpi slt, %add3A_133, %lt3A_134 : i32
      %convert_element_type3A_136 = arith.extui %lt3A_135 : i1 to i32
      %cond3A_137 = arith.constant 0 : i32
      %cond3A_138 = arith.cmpi ne, %convert_element_type3A_136, %cond3A_137 : i32
      scf.if %cond3A_138 {
        %add3A_177 = arith.constant 2 : i32
        %add3A_178 = arith.addi %mul3A_77, %add3A_177 : i32
        %mul3A_179 = arith.constant 128 : i32
        %mul3A_180 = arith.muli %add3A_178, %mul3A_179 : i32
        %add3A_181 = arith.addi %mul3A_32, %mul3A_180 : i32
        %multiple_of3A_182 = tpu.assume_multiple %add3A_181, 128 : i32
        %dma_start3A_183 = arith.constant 0 : i32
        %dma_start3A_184 = tpu.memref_slice %arg2[%dma_start3A_183, %multiple_of3A_182] : memref<50x16384xi32, #tpu.memory_space<hbm>> -> memref<50x128xi32, #tpu.memory_space<hbm>>
        %dma_start3A_185 = arith.constant 0 : i32
        %dma_start3A_186 = tpu.memref_slice %arg2[%dma_start3A_185, %multiple_of3A_182] : memref<50x16384xi32, #tpu.memory_space<hbm>> -> memref<50x128xi32, #tpu.memory_space<hbm>>
        tpu.enqueue_dma source(%dma_start3A_186 : memref<50x128xi32, #tpu.memory_space<hbm>>) target(%arg6 : memref<50x128xi32, #tpu.memory_space<vmem>>) target_semaphore(%arg10 : memref<!tpu.dma_semaphore, #tpu.memory_space<semaphore_mem>>)
      } else {
      }
      %add3A_139 = arith.constant 1 : i32
      %add3A_140 = arith.addi %mul3A_77, %add3A_139 : i32
      %gt3A_141 = arith.constant 0 : i32
      %gt3A_142 = arith.cmpi sgt, %add3A_140, %gt3A_141 : i32
      %convert_element_type3A_143 = arith.extui %gt3A_142 : i1 to i32
      %cond3A_144 = arith.constant 0 : i32
      %cond3A_145 = arith.cmpi ne, %convert_element_type3A_143, %cond3A_144 : i32
      scf.if %cond3A_145 {
        %dma_wait3A_177 = arith.constant 0 : i32
        %dma_wait3A_178 = arith.constant 0 : i32
        %dma_wait3A_179 = arith.constant 0 : i32
        %dma_wait3A_180 = tpu.memref_slice %arg4[%dma_wait3A_177, %dma_wait3A_178, %dma_wait3A_179] : memref<50x64x16384xf32, #tpu.memory_space<hbm>> -> memref<25x8x128xf32, #tpu.memory_space<hbm>>
        %dma_wait3A_181 = arith.constant 0 : i32
        %dma_wait3A_182 = arith.constant 0 : i32
        %dma_wait3A_183 = arith.constant 0 : i32
        %dma_wait3A_184 = tpu.memref_slice %arg4[%dma_wait3A_181, %dma_wait3A_182, %dma_wait3A_183] : memref<50x64x16384xf32, #tpu.memory_space<hbm>> -> memref<25x8x128xf32, #tpu.memory_space<hbm>>
        tpu.wait_dma2 semaphore(%arg12 : memref<!tpu.dma_semaphore, #tpu.memory_space<semaphore_mem>>) src(%arg8 : memref<25x8x128xf32, #tpu.memory_space<vmem>>) dst(%dma_wait3A_184 : memref<25x8x128xf32, #tpu.memory_space<hbm>>)
      } else {
      }
      %parallel_loop3A_146 = arith.constant 0 : i32
      %parallel_loop3A_147 = arith.constant 200 : i32
      %parallel_loop3A_148 = arith.constant 1 : i32
      scf.for %parallel_loop3A_177 = %parallel_loop3A_146 to %parallel_loop3A_147 step %parallel_loop3A_148  : i32 {
        %parallel_loop3A_178 = arith.constant 8 : i32
        %parallel_loop3A_179 = arith.divsi %parallel_loop3A_177, %parallel_loop3A_178 : i32
        %parallel_loop3A_180 = arith.constant 0 : i32
        %parallel_loop3A_181 = arith.cmpi sgt, %parallel_loop3A_177, %parallel_loop3A_180 : i32
        %parallel_loop3A_182 = arith.extui %parallel_loop3A_181 : i1 to i32
        %parallel_loop3A_183 = arith.constant 0 : i32
        %parallel_loop3A_184 = arith.cmpi slt, %parallel_loop3A_177, %parallel_loop3A_183 : i32
        %parallel_loop3A_185 = arith.extui %parallel_loop3A_184 : i1 to i32
        %parallel_loop3A_186 = arith.subi %parallel_loop3A_182, %parallel_loop3A_185 : i32
        %parallel_loop3A_187 = arith.constant 0 : i32
        %parallel_loop3A_188 = arith.cmpi sgt, %parallel_loop3A_178, %parallel_loop3A_187 : i32
        %parallel_loop3A_189 = arith.extui %parallel_loop3A_188 : i1 to i32
        %parallel_loop3A_190 = arith.constant 0 : i32
        %parallel_loop3A_191 = arith.cmpi slt, %parallel_loop3A_178, %parallel_loop3A_190 : i32
        %parallel_loop3A_192 = arith.extui %parallel_loop3A_191 : i1 to i32
        %parallel_loop3A_193 = arith.subi %parallel_loop3A_189, %parallel_loop3A_192 : i32
        %parallel_loop3A_194 = arith.cmpi ne, %parallel_loop3A_186, %parallel_loop3A_193 : i32
        %parallel_loop3A_195 = arith.remsi %parallel_loop3A_177, %parallel_loop3A_178 : i32
        %parallel_loop3A_196 = arith.constant 0 : i32
        %parallel_loop3A_197 = arith.cmpi ne, %parallel_loop3A_195, %parallel_loop3A_196 : i32
        %parallel_loop3A_198 = arith.andi %parallel_loop3A_194, %parallel_loop3A_197 : i1
        %parallel_loop3A_199 = arith.constant 1 : i32
        %parallel_loop3A_200 = arith.subi %parallel_loop3A_179, %parallel_loop3A_199 : i32
        %parallel_loop3A_201 = arith.select %parallel_loop3A_198, %parallel_loop3A_200, %parallel_loop3A_179 : i32
        %parallel_loop3A_202 = arith.constant 8 : i32
        %parallel_loop3A_203 = arith.constant 0 : i32
        %parallel_loop3A_204 = arith.cmpi eq, %parallel_loop3A_202, %parallel_loop3A_203 : i32
        %parallel_loop3A_205 = arith.constant 1 : i32
        %parallel_loop3A_206 = arith.select %parallel_loop3A_204, %parallel_loop3A_205, %parallel_loop3A_202 : i32
        %parallel_loop3A_207 = arith.remsi %parallel_loop3A_177, %parallel_loop3A_206 : i32
        %parallel_loop3A_208 = arith.constant 0 : i32
        %parallel_loop3A_209 = arith.cmpi ne, %parallel_loop3A_207, %parallel_loop3A_208 : i32
        %parallel_loop3A_210 = arith.constant 0 : i32
        %parallel_loop3A_211 = arith.cmpi slt, %parallel_loop3A_207, %parallel_loop3A_210 : i32
        %parallel_loop3A_212 = arith.constant 0 : i32
        %parallel_loop3A_213 = arith.cmpi slt, %parallel_loop3A_206, %parallel_loop3A_212 : i32
        %parallel_loop3A_214 = arith.xori %parallel_loop3A_211, %parallel_loop3A_213 : i1
        %parallel_loop3A_215 = arith.andi %parallel_loop3A_214, %parallel_loop3A_209 : i1
        %parallel_loop3A_216 = arith.addi %parallel_loop3A_207, %parallel_loop3A_206 : i32
        %parallel_loop3A_217 = arith.select %parallel_loop3A_215, %parallel_loop3A_216, %parallel_loop3A_207 : i32
        %parallel_loop3A_218 = arith.constant 0 : i32
        %parallel_loop3A_219 = arith.addi %parallel_loop3A_218, %parallel_loop3A_201 : i32
        %parallel_loop3A_220 = arith.constant 16 : i32
        %parallel_loop3A_221 = arith.muli %parallel_loop3A_217, %parallel_loop3A_220 : i32
        %parallel_loop3A_222 = arith.index_cast %parallel_loop3A_219 : i32 to index
        %parallel_loop3A_223 = arith.index_cast %parallel_loop3A_221 : i32 to index
        %parallel_loop3A_224 = tpu.vector_load %arg7[%parallel_loop3A_222, %parallel_loop3A_223] {strides = array<i32>} : memref<50x128xi32, #tpu.memory_space<vmem>>, vector<16xi32>,
        %parallel_loop3A_225 = tpu.vector_load_idx %arg5[%broadcast_in_dim3A_35, %parallel_loop3A_224] : memref<8x3660xf32, #tpu.memory_space<vmem>>[vector<16xi32>, vector<16xi32>], vector<16xf32>,
        %parallel_loop3A_226 = arith.constant 16 : i32
        %parallel_loop3A_227 = arith.muli %parallel_loop3A_217, %parallel_loop3A_226 : i32
        %parallel_loop3A_228 = arith.constant 0 : i32
        %parallel_loop3A_229 = arith.index_cast %parallel_loop3A_201 : i32 to index
        %parallel_loop3A_230 = arith.index_cast %parallel_loop3A_228 : i32 to index
        %parallel_loop3A_231 = arith.index_cast %parallel_loop3A_227 : i32 to index
        %parallel_loop3A_232 = tpu.vector_load %arg8[%parallel_loop3A_229, %parallel_loop3A_230, %parallel_loop3A_231] {strides = array<i32>} : memref<25x8x128xf32, #tpu.memory_space<vmem>>, vector<16xf32>,
        tpu.vector_store %arg8[%parallel_loop3A_229, %parallel_loop3A_230, %parallel_loop3A_231], %parallel_loop3A_225 {strides = array<i32>} : memref<25x8x128xf32, #tpu.memory_space<vmem>>, vector<16xf32>,
        %parallel_loop3A_233 = tpu.vector_load_idx %arg5[%broadcast_in_dim3A_37, %parallel_loop3A_224] : memref<8x3660xf32, #tpu.memory_space<vmem>>[vector<16xi32>, vector<16xi32>], vector<16xf32>,
        %parallel_loop3A_234 = arith.constant 16 : i32
        %parallel_loop3A_235 = arith.muli %parallel_loop3A_217, %parallel_loop3A_234 : i32
        %parallel_loop3A_236 = arith.constant 1 : i32
        %parallel_loop3A_237 = arith.index_cast %parallel_loop3A_201 : i32 to index
        %parallel_loop3A_238 = arith.index_cast %parallel_loop3A_236 : i32 to index
        %parallel_loop3A_239 = arith.index_cast %parallel_loop3A_235 : i32 to index
        %parallel_loop3A_240 = tpu.vector_load %arg8[%parallel_loop3A_237, %parallel_loop3A_238, %parallel_loop3A_239] {strides = array<i32>} : memref<25x8x128xf32, #tpu.memory_space<vmem>>, vector<16xf32>,
        tpu.vector_store %arg8[%parallel_loop3A_237, %parallel_loop3A_238, %parallel_loop3A_239], %parallel_loop3A_233 {strides = array<i32>} : memref<25x8x128xf32, #tpu.memory_space<vmem>>, vector<16xf32>,
        %parallel_loop3A_241 = tpu.vector_load_idx %arg5[%broadcast_in_dim3A_39, %parallel_loop3A_224] : memref<8x3660xf32, #tpu.memory_space<vmem>>[vector<16xi32>, vector<16xi32>], vector<16xf32>,
        %parallel_loop3A_242 = arith.constant 16 : i32
        %parallel_loop3A_243 = arith.muli %parallel_loop3A_217, %parallel_loop3A_242 : i32
        %parallel_loop3A_244 = arith.constant 2 : i32
        %parallel_loop3A_245 = arith.index_cast %parallel_loop3A_201 : i32 to index
        %parallel_loop3A_246 = arith.index_cast %parallel_loop3A_244 : i32 to index
        %parallel_loop3A_247 = arith.index_cast %parallel_loop3A_243 : i32 to index
        %parallel_loop3A_248 = tpu.vector_load %arg8[%parallel_loop3A_245, %parallel_loop3A_246, %parallel_loop3A_247] {strides = array<i32>} : memref<25x8x128xf32, #tpu.memory_space<vmem>>, vector<16xf32>,
        tpu.vector_store %arg8[%parallel_loop3A_245, %parallel_loop3A_246, %parallel_loop3A_247], %parallel_loop3A_241 {strides = array<i32>} : memref<25x8x128xf32, #tpu.memory_space<vmem>>, vector<16xf32>,
        %parallel_loop3A_249 = tpu.vector_load_idx %arg5[%broadcast_in_dim3A_41, %parallel_loop3A_224] : memref<8x3660xf32, #tpu.memory_space<vmem>>[vector<16xi32>, vector<16xi32>], vector<16xf32>,
        %parallel_loop3A_250 = arith.constant 16 : i32
        %parallel_loop3A_251 = arith.muli %parallel_loop3A_217, %parallel_loop3A_250 : i32
        %parallel_loop3A_252 = arith.constant 3 : i32
        %parallel_loop3A_253 = arith.index_cast %parallel_loop3A_201 : i32 to index
        %parallel_loop3A_254 = arith.index_cast %parallel_loop3A_252 : i32 to index
        %parallel_loop3A_255 = arith.index_cast %parallel_loop3A_251 : i32 to index
        %parallel_loop3A_256 = tpu.vector_load %arg8[%parallel_loop3A_253, %parallel_loop3A_254, %parallel_loop3A_255] {strides = array<i32>} : memref<25x8x128xf32, #tpu.memory_space<vmem>>, vector<16xf32>,
        tpu.vector_store %arg8[%parallel_loop3A_253, %parallel_loop3A_254, %parallel_loop3A_255], %parallel_loop3A_249 {strides = array<i32>} : memref<25x8x128xf32, #tpu.memory_space<vmem>>, vector<16xf32>,
        %parallel_loop3A_257 = tpu.vector_load_idx %arg5[%broadcast_in_dim3A_43, %parallel_loop3A_224] : memref<8x3660xf32, #tpu.memory_space<vmem>>[vector<16xi32>, vector<16xi32>], vector<16xf32>,
        %parallel_loop3A_258 = arith.constant 16 : i32
        %parallel_loop3A_259 = arith.muli %parallel_loop3A_217, %parallel_loop3A_258 : i32
        %parallel_loop3A_260 = arith.constant 4 : i32
        %parallel_loop3A_261 = arith.index_cast %parallel_loop3A_201 : i32 to index
        %parallel_loop3A_262 = arith.index_cast %parallel_loop3A_260 : i32 to index
        %parallel_loop3A_263 = arith.index_cast %parallel_loop3A_259 : i32 to index
        %parallel_loop3A_264 = tpu.vector_load %arg8[%parallel_loop3A_261, %parallel_loop3A_262, %parallel_loop3A_263] {strides = array<i32>} : memref<25x8x128xf32, #tpu.memory_space<vmem>>, vector<16xf32>,
        tpu.vector_store %arg8[%parallel_loop3A_261, %parallel_loop3A_262, %parallel_loop3A_263], %parallel_loop3A_257 {strides = array<i32>} : memref<25x8x128xf32, #tpu.memory_space<vmem>>, vector<16xf32>,
        %parallel_loop3A_265 = tpu.vector_load_idx %arg5[%broadcast_in_dim3A_45, %parallel_loop3A_224] : memref<8x3660xf32, #tpu.memory_space<vmem>>[vector<16xi32>, vector<16xi32>], vector<16xf32>,
        %parallel_loop3A_266 = arith.constant 16 : i32
        %parallel_loop3A_267 = arith.muli %parallel_loop3A_217, %parallel_loop3A_266 : i32
        %parallel_loop3A_268 = arith.constant 5 : i32
        %parallel_loop3A_269 = arith.index_cast %parallel_loop3A_201 : i32 to index
        %parallel_loop3A_270 = arith.index_cast %parallel_loop3A_268 : i32 to index
        %parallel_loop3A_271 = arith.index_cast %parallel_loop3A_267 : i32 to index
        %parallel_loop3A_272 = tpu.vector_load %arg8[%parallel_loop3A_269, %parallel_loop3A_270, %parallel_loop3A_271] {strides = array<i32>} : memref<25x8x128xf32, #tpu.memory_space<vmem>>, vector<16xf32>,
        tpu.vector_store %arg8[%parallel_loop3A_269, %parallel_loop3A_270, %parallel_loop3A_271], %parallel_loop3A_265 {strides = array<i32>} : memref<25x8x128xf32, #tpu.memory_space<vmem>>, vector<16xf32>,
        %parallel_loop3A_273 = tpu.vector_load_idx %arg5[%broadcast_in_dim3A_47, %parallel_loop3A_224] : memref<8x3660xf32, #tpu.memory_space<vmem>>[vector<16xi32>, vector<16xi32>], vector<16xf32>,
        %parallel_loop3A_274 = arith.constant 16 : i32
        %parallel_loop3A_275 = arith.muli %parallel_loop3A_217, %parallel_loop3A_274 : i32
        %parallel_loop3A_276 = arith.constant 6 : i32
        %parallel_loop3A_277 = arith.index_cast %parallel_loop3A_201 : i32 to index
        %parallel_loop3A_278 = arith.index_cast %parallel_loop3A_276 : i32 to index
        %parallel_loop3A_279 = arith.index_cast %parallel_loop3A_275 : i32 to index
        %parallel_loop3A_280 = tpu.vector_load %arg8[%parallel_loop3A_277, %parallel_loop3A_278, %parallel_loop3A_279] {strides = array<i32>} : memref<25x8x128xf32, #tpu.memory_space<vmem>>, vector<16xf32>,
        tpu.vector_store %arg8[%parallel_loop3A_277, %parallel_loop3A_278, %parallel_loop3A_279], %parallel_loop3A_273 {strides = array<i32>} : memref<25x8x128xf32, #tpu.memory_space<vmem>>, vector<16xf32>,
        %parallel_loop3A_281 = tpu.vector_load_idx %arg5[%broadcast_in_dim3A_49, %parallel_loop3A_224] : memref<8x3660xf32, #tpu.memory_space<vmem>>[vector<16xi32>, vector<16xi32>], vector<16xf32>,
        %parallel_loop3A_282 = arith.constant 16 : i32
        %parallel_loop3A_283 = arith.muli %parallel_loop3A_217, %parallel_loop3A_282 : i32
        %parallel_loop3A_284 = arith.constant 7 : i32
        %parallel_loop3A_285 = arith.index_cast %parallel_loop3A_201 : i32 to index
        %parallel_loop3A_286 = arith.index_cast %parallel_loop3A_284 : i32 to index
        %parallel_loop3A_287 = arith.index_cast %parallel_loop3A_283 : i32 to index
        %parallel_loop3A_288 = tpu.vector_load %arg8[%parallel_loop3A_285, %parallel_loop3A_286, %parallel_loop3A_287] {strides = array<i32>} : memref<25x8x128xf32, #tpu.memory_space<vmem>>, vector<16xf32>,
        tpu.vector_store %arg8[%parallel_loop3A_285, %parallel_loop3A_286, %parallel_loop3A_287], %parallel_loop3A_281 {strides = array<i32>} : memref<25x8x128xf32, #tpu.memory_space<vmem>>, vector<16xf32>,
      } {sc.loop_unroll_factor = 2 : i64, sc.parallel_access}
      %mul3A_149 = arith.constant 8 : i32
      %mul3A_150 = arith.muli %select_n3A_9, %mul3A_149 : i32
      %mul3A_151 = arith.constant 128 : i32
      %mul3A_152 = arith.muli %add3A_140, %mul3A_151 : i32
      %add3A_153 = arith.addi %mul3A_32, %mul3A_152 : i32
      %multiple_of3A_154 = tpu.assume_multiple %add3A_153, 128 : i32
      %dma_start3A_155 = arith.constant 0 : i32
      %dma_start3A_156 = tpu.memref_slice %arg4[%dma_start3A_155, %mul3A_150, %multiple_of3A_154] : memref<50x64x16384xf32, #tpu.memory_space<hbm>> -> memref<25x8x128xf32, #tpu.memory_space<hbm>>
      %dma_start3A_157 = arith.constant 0 : i32
      %dma_start3A_158 = tpu.memref_slice %arg4[%dma_start3A_157, %mul3A_150, %multiple_of3A_154] : memref<50x64x16384xf32, #tpu.memory_space<hbm>> -> memref<25x8x128xf32, #tpu.memory_space<hbm>>
      tpu.enqueue_dma source(%arg8 : memref<25x8x128xf32, #tpu.memory_space<vmem>>) target(%dma_start3A_158 : memref<25x8x128xf32, #tpu.memory_space<hbm>>) target_semaphore(%arg12 : memref<!tpu.dma_semaphore, #tpu.memory_space<semaphore_mem>>)
      %gt3A_159 = arith.constant 0 : i32
      %gt3A_160 = arith.cmpi sgt, %add3A_140, %gt3A_159 : i32
      %convert_element_type3A_161 = arith.extui %gt3A_160 : i1 to i32
      %cond3A_162 = arith.constant 0 : i32
      %cond3A_163 = arith.cmpi ne, %convert_element_type3A_161, %cond3A_162 : i32
      scf.if %cond3A_163 {
        %dma_wait3A_177 = arith.constant 0 : i32
        %dma_wait3A_178 = arith.constant 0 : i32
        %dma_wait3A_179 = arith.constant 0 : i32
        %dma_wait3A_180 = tpu.memref_slice %arg4[%dma_wait3A_177, %dma_wait3A_178, %dma_wait3A_179] : memref<50x64x16384xf32, #tpu.memory_space<hbm>> -> memref<25x8x128xf32, #tpu.memory_space<hbm>>
        %dma_wait3A_181 = arith.constant 0 : i32
        %dma_wait3A_182 = arith.constant 0 : i32
        %dma_wait3A_183 = arith.constant 0 : i32
        %dma_wait3A_184 = tpu.memref_slice %arg4[%dma_wait3A_181, %dma_wait3A_182, %dma_wait3A_183] : memref<50x64x16384xf32, #tpu.memory_space<hbm>> -> memref<25x8x128xf32, #tpu.memory_space<hbm>>
        tpu.wait_dma2 semaphore(%arg13 : memref<!tpu.dma_semaphore, #tpu.memory_space<semaphore_mem>>) src(%arg9 : memref<25x8x128xf32, #tpu.memory_space<vmem>>) dst(%dma_wait3A_184 : memref<25x8x128xf32, #tpu.memory_space<hbm>>)
      } else {
      }
      %parallel_loop3A_164 = arith.constant 0 : i32
      %parallel_loop3A_165 = arith.constant 200 : i32
      %parallel_loop3A_166 = arith.constant 1 : i32
      scf.for %parallel_loop3A_177 = %parallel_loop3A_164 to %parallel_loop3A_165 step %parallel_loop3A_166  : i32 {
        %parallel_loop3A_178 = arith.constant 8 : i32
        %parallel_loop3A_179 = arith.divsi %parallel_loop3A_177, %parallel_loop3A_178 : i32
        %parallel_loop3A_180 = arith.constant 0 : i32
        %parallel_loop3A_181 = arith.cmpi sgt, %parallel_loop3A_177, %parallel_loop3A_180 : i32
        %parallel_loop3A_182 = arith.extui %parallel_loop3A_181 : i1 to i32
        %parallel_loop3A_183 = arith.constant 0 : i32
        %parallel_loop3A_184 = arith.cmpi slt, %parallel_loop3A_177, %parallel_loop3A_183 : i32
        %parallel_loop3A_185 = arith.extui %parallel_loop3A_184 : i1 to i32
        %parallel_loop3A_186 = arith.subi %parallel_loop3A_182, %parallel_loop3A_185 : i32
        %parallel_loop3A_187 = arith.constant 0 : i32
        %parallel_loop3A_188 = arith.cmpi sgt, %parallel_loop3A_178, %parallel_loop3A_187 : i32
        %parallel_loop3A_189 = arith.extui %parallel_loop3A_188 : i1 to i32
        %parallel_loop3A_190 = arith.constant 0 : i32
        %parallel_loop3A_191 = arith.cmpi slt, %parallel_loop3A_178, %parallel_loop3A_190 : i32
        %parallel_loop3A_192 = arith.extui %parallel_loop3A_191 : i1 to i32
        %parallel_loop3A_193 = arith.subi %parallel_loop3A_189, %parallel_loop3A_192 : i32
        %parallel_loop3A_194 = arith.cmpi ne, %parallel_loop3A_186, %parallel_loop3A_193 : i32
        %parallel_loop3A_195 = arith.remsi %parallel_loop3A_177, %parallel_loop3A_178 : i32
        %parallel_loop3A_196 = arith.constant 0 : i32
        %parallel_loop3A_197 = arith.cmpi ne, %parallel_loop3A_195, %parallel_loop3A_196 : i32
        %parallel_loop3A_198 = arith.andi %parallel_loop3A_194, %parallel_loop3A_197 : i1
        %parallel_loop3A_199 = arith.constant 1 : i32
        %parallel_loop3A_200 = arith.subi %parallel_loop3A_179, %parallel_loop3A_199 : i32
        %parallel_loop3A_201 = arith.select %parallel_loop3A_198, %parallel_loop3A_200, %parallel_loop3A_179 : i32
        %parallel_loop3A_202 = arith.constant 8 : i32
        %parallel_loop3A_203 = arith.constant 0 : i32
        %parallel_loop3A_204 = arith.cmpi eq, %parallel_loop3A_202, %parallel_loop3A_203 : i32
        %parallel_loop3A_205 = arith.constant 1 : i32
        %parallel_loop3A_206 = arith.select %parallel_loop3A_204, %parallel_loop3A_205, %parallel_loop3A_202 : i32
        %parallel_loop3A_207 = arith.remsi %parallel_loop3A_177, %parallel_loop3A_206 : i32
        %parallel_loop3A_208 = arith.constant 0 : i32
        %parallel_loop3A_209 = arith.cmpi ne, %parallel_loop3A_207, %parallel_loop3A_208 : i32
        %parallel_loop3A_210 = arith.constant 0 : i32
        %parallel_loop3A_211 = arith.cmpi slt, %parallel_loop3A_207, %parallel_loop3A_210 : i32
        %parallel_loop3A_212 = arith.constant 0 : i32
        %parallel_loop3A_213 = arith.cmpi slt, %parallel_loop3A_206, %parallel_loop3A_212 : i32
        %parallel_loop3A_214 = arith.xori %parallel_loop3A_211, %parallel_loop3A_213 : i1
        %parallel_loop3A_215 = arith.andi %parallel_loop3A_214, %parallel_loop3A_209 : i1
        %parallel_loop3A_216 = arith.addi %parallel_loop3A_207, %parallel_loop3A_206 : i32
        %parallel_loop3A_217 = arith.select %parallel_loop3A_215, %parallel_loop3A_216, %parallel_loop3A_207 : i32
        %parallel_loop3A_218 = arith.constant 25 : i32
        %parallel_loop3A_219 = arith.addi %parallel_loop3A_218, %parallel_loop3A_201 : i32
        %parallel_loop3A_220 = arith.constant 16 : i32
        %parallel_loop3A_221 = arith.muli %parallel_loop3A_217, %parallel_loop3A_220 : i32
        %parallel_loop3A_222 = arith.index_cast %parallel_loop3A_219 : i32 to index
        %parallel_loop3A_223 = arith.index_cast %parallel_loop3A_221 : i32 to index
        %parallel_loop3A_224 = tpu.vector_load %arg7[%parallel_loop3A_222, %parallel_loop3A_223] {strides = array<i32>} : memref<50x128xi32, #tpu.memory_space<vmem>>, vector<16xi32>,
        %parallel_loop3A_225 = tpu.vector_load_idx %arg5[%broadcast_in_dim3A_35, %parallel_loop3A_224] : memref<8x3660xf32, #tpu.memory_space<vmem>>[vector<16xi32>, vector<16xi32>], vector<16xf32>,
        %parallel_loop3A_226 = arith.constant 16 : i32
        %parallel_loop3A_227 = arith.muli %parallel_loop3A_217, %parallel_loop3A_226 : i32
        %parallel_loop3A_228 = arith.constant 0 : i32
        %parallel_loop3A_229 = arith.index_cast %parallel_loop3A_201 : i32 to index
        %parallel_loop3A_230 = arith.index_cast %parallel_loop3A_228 : i32 to index
        %parallel_loop3A_231 = arith.index_cast %parallel_loop3A_227 : i32 to index
        %parallel_loop3A_232 = tpu.vector_load %arg9[%parallel_loop3A_229, %parallel_loop3A_230, %parallel_loop3A_231] {strides = array<i32>} : memref<25x8x128xf32, #tpu.memory_space<vmem>>, vector<16xf32>,
        tpu.vector_store %arg9[%parallel_loop3A_229, %parallel_loop3A_230, %parallel_loop3A_231], %parallel_loop3A_225 {strides = array<i32>} : memref<25x8x128xf32, #tpu.memory_space<vmem>>, vector<16xf32>,
        %parallel_loop3A_233 = tpu.vector_load_idx %arg5[%broadcast_in_dim3A_37, %parallel_loop3A_224] : memref<8x3660xf32, #tpu.memory_space<vmem>>[vector<16xi32>, vector<16xi32>], vector<16xf32>,
        %parallel_loop3A_234 = arith.constant 16 : i32
        %parallel_loop3A_235 = arith.muli %parallel_loop3A_217, %parallel_loop3A_234 : i32
        %parallel_loop3A_236 = arith.constant 1 : i32
        %parallel_loop3A_237 = arith.index_cast %parallel_loop3A_201 : i32 to index
        %parallel_loop3A_238 = arith.index_cast %parallel_loop3A_236 : i32 to index
        %parallel_loop3A_239 = arith.index_cast %parallel_loop3A_235 : i32 to index
        %parallel_loop3A_240 = tpu.vector_load %arg9[%parallel_loop3A_237, %parallel_loop3A_238, %parallel_loop3A_239] {strides = array<i32>} : memref<25x8x128xf32, #tpu.memory_space<vmem>>, vector<16xf32>,
        tpu.vector_store %arg9[%parallel_loop3A_237, %parallel_loop3A_238, %parallel_loop3A_239], %parallel_loop3A_233 {strides = array<i32>} : memref<25x8x128xf32, #tpu.memory_space<vmem>>, vector<16xf32>,
        %parallel_loop3A_241 = tpu.vector_load_idx %arg5[%broadcast_in_dim3A_39, %parallel_loop3A_224] : memref<8x3660xf32, #tpu.memory_space<vmem>>[vector<16xi32>, vector<16xi32>], vector<16xf32>,
        %parallel_loop3A_242 = arith.constant 16 : i32
        %parallel_loop3A_243 = arith.muli %parallel_loop3A_217, %parallel_loop3A_242 : i32
        %parallel_loop3A_244 = arith.constant 2 : i32
        %parallel_loop3A_245 = arith.index_cast %parallel_loop3A_201 : i32 to index
        %parallel_loop3A_246 = arith.index_cast %parallel_loop3A_244 : i32 to index
        %parallel_loop3A_247 = arith.index_cast %parallel_loop3A_243 : i32 to index
        %parallel_loop3A_248 = tpu.vector_load %arg9[%parallel_loop3A_245, %parallel_loop3A_246, %parallel_loop3A_247] {strides = array<i32>} : memref<25x8x128xf32, #tpu.memory_space<vmem>>, vector<16xf32>,
        tpu.vector_store %arg9[%parallel_loop3A_245, %parallel_loop3A_246, %parallel_loop3A_247], %parallel_loop3A_241 {strides = array<i32>} : memref<25x8x128xf32, #tpu.memory_space<vmem>>, vector<16xf32>,
        %parallel_loop3A_249 = tpu.vector_load_idx %arg5[%broadcast_in_dim3A_41, %parallel_loop3A_224] : memref<8x3660xf32, #tpu.memory_space<vmem>>[vector<16xi32>, vector<16xi32>], vector<16xf32>,
        %parallel_loop3A_250 = arith.constant 16 : i32
        %parallel_loop3A_251 = arith.muli %parallel_loop3A_217, %parallel_loop3A_250 : i32
        %parallel_loop3A_252 = arith.constant 3 : i32
        %parallel_loop3A_253 = arith.index_cast %parallel_loop3A_201 : i32 to index
        %parallel_loop3A_254 = arith.index_cast %parallel_loop3A_252 : i32 to index
        %parallel_loop3A_255 = arith.index_cast %parallel_loop3A_251 : i32 to index
        %parallel_loop3A_256 = tpu.vector_load %arg9[%parallel_loop3A_253, %parallel_loop3A_254, %parallel_loop3A_255] {strides = array<i32>} : memref<25x8x128xf32, #tpu.memory_space<vmem>>, vector<16xf32>,
        tpu.vector_store %arg9[%parallel_loop3A_253, %parallel_loop3A_254, %parallel_loop3A_255], %parallel_loop3A_249 {strides = array<i32>} : memref<25x8x128xf32, #tpu.memory_space<vmem>>, vector<16xf32>,
        %parallel_loop3A_257 = tpu.vector_load_idx %arg5[%broadcast_in_dim3A_43, %parallel_loop3A_224] : memref<8x3660xf32, #tpu.memory_space<vmem>>[vector<16xi32>, vector<16xi32>], vector<16xf32>,
        %parallel_loop3A_258 = arith.constant 16 : i32
        %parallel_loop3A_259 = arith.muli %parallel_loop3A_217, %parallel_loop3A_258 : i32
        %parallel_loop3A_260 = arith.constant 4 : i32
        %parallel_loop3A_261 = arith.index_cast %parallel_loop3A_201 : i32 to index
        %parallel_loop3A_262 = arith.index_cast %parallel_loop3A_260 : i32 to index
        %parallel_loop3A_263 = arith.index_cast %parallel_loop3A_259 : i32 to index
        %parallel_loop3A_264 = tpu.vector_load %arg9[%parallel_loop3A_261, %parallel_loop3A_262, %parallel_loop3A_263] {strides = array<i32>} : memref<25x8x128xf32, #tpu.memory_space<vmem>>, vector<16xf32>,
        tpu.vector_store %arg9[%parallel_loop3A_261, %parallel_loop3A_262, %parallel_loop3A_263], %parallel_loop3A_257 {strides = array<i32>} : memref<25x8x128xf32, #tpu.memory_space<vmem>>, vector<16xf32>,
        %parallel_loop3A_265 = tpu.vector_load_idx %arg5[%broadcast_in_dim3A_45, %parallel_loop3A_224] : memref<8x3660xf32, #tpu.memory_space<vmem>>[vector<16xi32>, vector<16xi32>], vector<16xf32>,
        %parallel_loop3A_266 = arith.constant 16 : i32
        %parallel_loop3A_267 = arith.muli %parallel_loop3A_217, %parallel_loop3A_266 : i32
        %parallel_loop3A_268 = arith.constant 5 : i32
        %parallel_loop3A_269 = arith.index_cast %parallel_loop3A_201 : i32 to index
        %parallel_loop3A_270 = arith.index_cast %parallel_loop3A_268 : i32 to index
        %parallel_loop3A_271 = arith.index_cast %parallel_loop3A_267 : i32 to index
        %parallel_loop3A_272 = tpu.vector_load %arg9[%parallel_loop3A_269, %parallel_loop3A_270, %parallel_loop3A_271] {strides = array<i32>} : memref<25x8x128xf32, #tpu.memory_space<vmem>>, vector<16xf32>,
        tpu.vector_store %arg9[%parallel_loop3A_269, %parallel_loop3A_270, %parallel_loop3A_271], %parallel_loop3A_265 {strides = array<i32>} : memref<25x8x128xf32, #tpu.memory_space<vmem>>, vector<16xf32>,
        %parallel_loop3A_273 = tpu.vector_load_idx %arg5[%broadcast_in_dim3A_47, %parallel_loop3A_224] : memref<8x3660xf32, #tpu.memory_space<vmem>>[vector<16xi32>, vector<16xi32>], vector<16xf32>,
        %parallel_loop3A_274 = arith.constant 16 : i32
        %parallel_loop3A_275 = arith.muli %parallel_loop3A_217, %parallel_loop3A_274 : i32
        %parallel_loop3A_276 = arith.constant 6 : i32
        %parallel_loop3A_277 = arith.index_cast %parallel_loop3A_201 : i32 to index
        %parallel_loop3A_278 = arith.index_cast %parallel_loop3A_276 : i32 to index
        %parallel_loop3A_279 = arith.index_cast %parallel_loop3A_275 : i32 to index
        %parallel_loop3A_280 = tpu.vector_load %arg9[%parallel_loop3A_277, %parallel_loop3A_278, %parallel_loop3A_279] {strides = array<i32>} : memref<25x8x128xf32, #tpu.memory_space<vmem>>, vector<16xf32>,
        tpu.vector_store %arg9[%parallel_loop3A_277, %parallel_loop3A_278, %parallel_loop3A_279], %parallel_loop3A_273 {strides = array<i32>} : memref<25x8x128xf32, #tpu.memory_space<vmem>>, vector<16xf32>,
        %parallel_loop3A_281 = tpu.vector_load_idx %arg5[%broadcast_in_dim3A_49, %parallel_loop3A_224] : memref<8x3660xf32, #tpu.memory_space<vmem>>[vector<16xi32>, vector<16xi32>], vector<16xf32>,
        %parallel_loop3A_282 = arith.constant 16 : i32
        %parallel_loop3A_283 = arith.muli %parallel_loop3A_217, %parallel_loop3A_282 : i32
        %parallel_loop3A_284 = arith.constant 7 : i32
        %parallel_loop3A_285 = arith.index_cast %parallel_loop3A_201 : i32 to index
        %parallel_loop3A_286 = arith.index_cast %parallel_loop3A_284 : i32 to index
        %parallel_loop3A_287 = arith.index_cast %parallel_loop3A_283 : i32 to index
        %parallel_loop3A_288 = tpu.vector_load %arg9[%parallel_loop3A_285, %parallel_loop3A_286, %parallel_loop3A_287] {strides = array<i32>} : memref<25x8x128xf32, #tpu.memory_space<vmem>>, vector<16xf32>,
        tpu.vector_store %arg9[%parallel_loop3A_285, %parallel_loop3A_286, %parallel_loop3A_287], %parallel_loop3A_281 {strides = array<i32>} : memref<25x8x128xf32, #tpu.memory_space<vmem>>, vector<16xf32>,
      } {sc.loop_unroll_factor = 2 : i64, sc.parallel_access}
      %mul3A_167 = arith.constant 8 : i32
      %mul3A_168 = arith.muli %select_n3A_9, %mul3A_167 : i32
      %mul3A_169 = arith.constant 128 : i32
      %mul3A_170 = arith.muli %add3A_140, %mul3A_169 : i32
      %add3A_171 = arith.addi %mul3A_32, %mul3A_170 : i32
      %multiple_of3A_172 = tpu.assume_multiple %add3A_171, 128 : i32
      %dma_start3A_173 = arith.constant 25 : i32
      %dma_start3A_174 = tpu.memref_slice %arg4[%dma_start3A_173, %mul3A_168, %multiple_of3A_172] : memref<50x64x16384xf32, #tpu.memory_space<hbm>> -> memref<25x8x128xf32, #tpu.memory_space<hbm>>
      %dma_start3A_175 = arith.constant 25 : i32
      %dma_start3A_176 = tpu.memref_slice %arg4[%dma_start3A_175, %mul3A_168, %multiple_of3A_172] : memref<50x64x16384xf32, #tpu.memory_space<hbm>> -> memref<25x8x128xf32, #tpu.memory_space<hbm>>
      tpu.enqueue_dma source(%arg9 : memref<25x8x128xf32, #tpu.memory_space<vmem>>) target(%dma_start3A_176 : memref<25x8x128xf32, #tpu.memory_space<hbm>>) target_semaphore(%arg13 : memref<!tpu.dma_semaphore, #tpu.memory_space<semaphore_mem>>)
    }
    %scan3A_59 = arith.constant 16 : i32
    %dma_wait3A = arith.constant 0 : i32
    %dma_wait3A_60 = arith.constant 0 : i32
    %dma_wait3A_61 = arith.constant 0 : i32
    %dma_wait3A_62 = tpu.memref_slice %arg4[%dma_wait3A, %dma_wait3A_60, %dma_wait3A_61] : memref<50x64x16384xf32, #tpu.memory_space<hbm>> -> memref<25x8x128xf32, #tpu.memory_space<hbm>>
    %dma_wait3A_63 = arith.constant 0 : i32
    %dma_wait3A_64 = arith.constant 0 : i32
    %dma_wait3A_65 = arith.constant 0 : i32
    %dma_wait3A_66 = tpu.memref_slice %arg4[%dma_wait3A_63, %dma_wait3A_64, %dma_wait3A_65] : memref<50x64x16384xf32, #tpu.memory_space<hbm>> -> memref<25x8x128xf32, #tpu.memory_space<hbm>>
    tpu.wait_dma2 semaphore(%arg12 : memref<!tpu.dma_semaphore, #tpu.memory_space<semaphore_mem>>) src(%arg8 : memref<25x8x128xf32, #tpu.memory_space<vmem>>) dst(%dma_wait3A_66 : memref<25x8x128xf32, #tpu.memory_space<hbm>>)
    %dma_wait3A_67 = arith.constant 0 : i32
    %dma_wait3A_68 = arith.constant 0 : i32
    %dma_wait3A_69 = arith.constant 0 : i32
    %dma_wait3A_70 = tpu.memref_slice %arg4[%dma_wait3A_67, %dma_wait3A_68, %dma_wait3A_69] : memref<50x64x16384xf32, #tpu.memory_space<hbm>> -> memref<25x8x128xf32, #tpu.memory_space<hbm>>
    %dma_wait3A_71 = arith.constant 0 : i32
    %dma_wait3A_72 = arith.constant 0 : i32
    %dma_wait3A_73 = arith.constant 0 : i32
    %dma_wait3A_74 = tpu.memref_slice %arg4[%dma_wait3A_71, %dma_wait3A_72, %dma_wait3A_73] : memref<50x64x16384xf32, #tpu.memory_space<hbm>> -> memref<25x8x128xf32, #tpu.memory_space<hbm>>
    tpu.wait_dma2 semaphore(%arg13 : memref<!tpu.dma_semaphore, #tpu.memory_space<semaphore_mem>>) src(%arg9 : memref<25x8x128xf32, #tpu.memory_space<vmem>>) dst(%dma_wait3A_74 : memref<25x8x128xf32, #tpu.memory_space<hbm>>)
    return
  }
}

</mosaic_0001>

<sc_bundles>
// kernel: kernel.3.cloned.1.call-start
scs
__scs_entry_jumppad:
0x0: {  	(pc) =	sbr.rel $0x88, $3  }
0x1: {  	(tag) =	ssettag $0x0;
	lr =	simm.s32 $0x1  }
0x2: {  	[smem:$0x3F9F] =	sst lr;
	_ =	strace $0xD0000000  }
0x3: {  	_ = 	snop  }
0x4: {  	_ = 	snop  }
0x5: {  	_ = 	snop  }
0x6: {  	_ = 	snop  }
0x7: {  	_ = 	snop  }
__scs_overlays_trampoline_lowered:
0x8: {  	[smem:$0x3FAE] =	sst s0  }
0x9: {  	[smem:$0x3FAF] =	sst s1  }
0xa: {  	[smem:$0x3FB0] =	sst s2  }
0xb: {  	[smem:$0x3FB1] =	sst s3  }
0xc: {  	[smem:$0x3FB2] =	sst s4  }
0xd: {  	[smem:$0x3FB3] =	sst s5  }
0xe: {  	[smem:$0x3FB4] =	sst s6  }
0xf: {  	[smem:$0x3FB5] =	sst s7  }
0x10: {  	[smem:$0x3FB6] =	sst s8  }
0x11: {  	[smem:$0x3FB7] =	sst s9;
	s0 =	simm.s32 @!p0 $0x0  }
0x12: {  	s1 =	sld [smem:$0x3F9D];
	s0 =	simm.s32 @p0 $0x1  }
0x13: {  	[smem:$0x3FB8] =	sst s0;
	s0 =	simm.s32 @!p1 $0x0  }
0x14: {  	s2 =	sld [smem:$0x3F9C];
	s0 =	simm.s32 @p1 $0x1  }
0x15: {  	[smem:$0x3FB9] =	sst s0;
	s0 =	simm.s32 @!p2 $0x0  }
0x16: {  	s3 =	sld [smem:$0x3FDB];
	s0 =	simm.s32 @p2 $0x1  }
0x17: {  	s4 =	simm.s32 $0x1BF5;
	[smem:$0x3FBB] =	sst s0  }
0x18: {  	s0 =	sld [smem:$0x3F9E];
	_ =	swait.ge [sflag:s4], $0x0  }
0x19: {  	s7 =	sld [smem:$0x3F9F]  }
0x1a: {  	s8 =	sadd.s32 $0xFFFFE003, lr  }
0x1b: {  	s9 =	sadd.s32 $0xFFFFFEF7, lr;
	s5 =	simm.s32 $0xFFFFFFFF;
	p2 =	slt.u32 s8, $0xFFFFF086  }
0x1c: {  	p1 =	slt.u32 s9, $0xF7A;
	s5 =	simm.s32 @!p2 $0x0  }
0x1d: {  	s5 =	simm.s32 @p1 $0x1;
	p0 =	seq.s32 s7, s2  }
0x1e: {  	s7 =	smul.u32 @!p0 $0xF7A, s2;
	p2 =	seq.s32 @!p0 s5, $0x0  }
0x1f: {  	s9 =	smul.u32 $0xF7A, s1;
	s8 =	simm.s32 @!p0 $0x1BF5;
	p2 =	por !p2, p0  }
0x20: {  	[sflag:s8] =	ssyncset.s32 @!p0 $0xFFFFF086;
	s6 =	sadd.s32 @!p0 s3, s7;
	s7 =	simm.s32 @!p0 $0x108  }
0x21: {  	s3 =	sadd.s32 s3, s9;
	s6 =	sadd.s32 @!p0 $0x88, s6;
	s7 =	simm.s32 @p2 $0x1082  }
0x22: {  	[simem:s7], [sflag:s8] =	dma.local @!p0 [hbm:s6], $0xF7A  }
0x23: {  	s9 =	sor.u32 $0xD0000000, s2;
	s6 =	simm.s32 $0x108;
	_ =	swait.ge @!p0 [sflag:s8], $0x0  }
0x24: {  	s3 =	sadd.s32 $0x88, s3;
	s6 =	simm.s32 @!p1 $0x1082;
	[sflag:s4] =	ssyncset.s32 $0xFFFFF086  }
0x25: {  	[simem:s6], [sflag:s4] =	dma.local [hbm:s3], $0xF7A  }
0x26: {  	[smem:$0x3F9F] =	sst s1;
	(tag) =	ssettag s2;
	_ =	strace s9  }
0x27: {  	s1 =	sld [smem:$0x3FAF]  }
0x28: {  	s2 =	sld [smem:$0x3FB0]  }
0x29: {  	s4 =	sld [smem:$0x3FB2]  }
0x2a: {  	p0 =	seq.s32 s5, $0x0;
	s5 =	sld [smem:$0x3FB3]  }
0x2b: {  	s6 =	sld [smem:$0x3FB4]  }
0x2c: {  	s7 =	sld [smem:$0x3FB5]  }
0x2d: {  	s3 =	simm.s32 $0x108;
	s8 =	sld [smem:$0x3FB6]  }
0x2e: {  	s3 =	simm.s32 @!p0 $0x1082;
	s9 =	sld [smem:$0x3FB7]  }
0x2f: {  	lr =	sadd.s32 s0, s3;
	s0 =	sld [smem:$0x3FAE]  }
0x30: {  	s3 =	sld [smem:$0x3FB1]  }
0x31: {  	[smem:$0x3FBA] =	sst s10  }
0x32: {  	s10 =	sld [smem:$0x3FB8];
	_ =	sdelay $0x3  }
0x33: {  	p0 =	seq.s32 s10, $0x1;
	s10 =	sld [smem:$0x3FBA];
	_ =	sdelay $0x3  }
0x34: {  	[smem:$0x3FBA] =	sst s10  }
0x35: {  	s10 =	sld [smem:$0x3FB9];
	_ =	sdelay $0x3  }
0x36: {  	p1 =	seq.s32 s10, $0x1;
	s10 =	sld [smem:$0x3FBA];
	_ =	sdelay $0x3  }
0x37: {  	[smem:$0x3FBA] =	sst s10  }
0x38: {  	s10 =	sld [smem:$0x3FBB]  }
0x39: {  	_ = 	snop;
	(pc) =	sbr.ind lr, $3  }
0x3a: {  	_ = 	snop  }
0x3b: {  	_ = 	snop  }
0x3c: {  	p2 =	seq.s32 s10, $0x1;
	s10 =	sld [smem:$0x3FBA]  }
0x3d: {  	_ =	shalt  }
0x3e: {  	_ =	shalt  }
0x3f: {  	_ =	shalt  }
0x40: {  	_ =	shalt  }
0x41: {  	_ =	shalt  }
0x42: {  	_ =	shalt  }
0x43: {  	_ =	shalt  }
0x44: {  	_ =	shalt  }
0x45: {  	_ =	shalt  }
0x46: {  	_ =	shalt  }
0x47: {  	_ =	shalt  }
0x48: {  	_ =	shalt  }
0x49: {  	_ =	shalt  }
0x4a: {  	_ =	shalt  }
0x4b: {  	_ =	shalt  }
0x4c: {  	_ =	shalt  }
0x4d: {  	_ =	shalt  }
0x4e: {  	_ =	shalt  }
0x4f: {  	_ =	shalt  }
0x50: {  	_ =	shalt  }
0x51: {  	_ =	shalt  }
0x52: {  	_ =	shalt  }
0x53: {  	_ =	shalt  }
0x54: {  	_ =	shalt  }
0x55: {  	_ =	shalt  }
0x56: {  	_ =	shalt  }
0x57: {  	_ =	shalt  }
0x58: {  	_ =	shalt  }
0x59: {  	_ =	shalt  }
0x5a: {  	_ =	shalt  }
0x5b: {  	_ =	shalt  }
0x5c: {  	_ =	shalt  }
0x5d: {  	_ =	shalt  }
0x5e: {  	_ =	shalt  }
0x5f: {  	_ =	shalt  }
0x60: {  	_ =	shalt  }
0x61: {  	_ =	shalt  }
0x62: {  	_ =	shalt  }
0x63: {  	_ =	shalt  }
0x64: {  	_ =	shalt  }
0x65: {  	_ =	shalt  }
0x66: {  	_ =	shalt  }
0x67: {  	_ =	shalt  }
0x68: {  	_ =	shalt  }
0x69: {  	_ =	shalt  }
0x6a: {  	_ =	shalt  }
0x6b: {  	_ =	shalt  }
0x6c: {  	_ =	shalt  }
0x6d: {  	_ =	shalt  }
0x6e: {  	_ =	shalt  }
0x6f: {  	_ =	shalt  }
0x70: {  	_ =	shalt  }
0x71: {  	_ =	shalt  }
0x72: {  	_ =	shalt  }
0x73: {  	_ =	shalt  }
0x74: {  	_ =	shalt  }
0x75: {  	_ =	shalt  }
0x76: {  	_ =	shalt  }
0x77: {  	_ =	shalt  }
0x78: {  	_ =	shalt  }
0x79: {  	_ =	shalt  }
0x7a: {  	_ =	shalt  }
0x7b: {  	_ =	shalt  }
0x7c: {  	_ =	shalt  }
0x7d: {  	_ =	shalt  }
0x7e: {  	_ =	shalt  }
0x7f: {  	_ =	shalt  }
0x80: {  	_ =	shalt  }
0x81: {  	_ =	shalt  }
0x82: {  	_ =	shalt  }
0x83: {  	_ =	shalt  }
0x84: {  	_ =	shalt  }
0x85: {  	_ =	shalt  }
0x86: {  	_ =	shalt  }
0x87: {  	_ =	shalt  }
.Lfunc_end0:
.L_simem_size_0:
called_computation_lowered:
.L_overlay_start_0:
0x88: {  	s2 =	sld [smem:$0x3FD9]  }
0x89: {  	s3 =	sld [smem:$0x3FFE];
	_ =	sdelay $0x1  }
0x8a: {  	s1 =	srdreg.scid  }
0x8b: {  	s0 =	sand.u32 $0x1, s1  }
0x8c: {  	s18 =	sshll.u32 s0, $0xA;
	s2 =	sadd.s32 s3, s2  }
0x8d: {  	s2 =	sadd.s32 s2, s18  }
0x8e: {  	[smem:$0x3FC6] =	sst s2  }
0x8f: {  	_ = 	snop  }
0x90: {  	s2 =	sld [smem:$0x3FC9]  }
0x91: {  	s19 =	sld [smem:$0x3FC8]  }
0x92: {  	s4 =	sld [smem:$0x3FD0];
	(tm) =	ssettm $0x1  }
0x93: {  	s5 =	sld [smem:$0x3FFB];
	_ =	sdelay $0x3  }
0x94: {  	_ =	strace s5  }
0x95: {  	s5 =	sld [smem:$0x3FFC];
	_ =	sdelay $0x3  }
0x96: {  	_ =	strace s5  }
0x97: {  	s5 =	sld [smem:$0x3FFD];
	_ =	sdelay $0x3  }
0x98: {  	_ =	strace s5  }
0x99: {  	_ =	strace $0x8FFFFFFF  }
0x9a: {  	s20 =	sld [smem:$0x3FDB];
	_ =	sdelay $0x1  }
0x9b: {  	s6 =	simm.s32 $_scs_section_size  }
0x9c: {  	s7 =	simm.s32 $_size__tile_overlayer_lowered;
	s8 =	simm.s32 $_tile_overlayer_lowered  }
0x9d: {  	s23 =	simm.s32 $0x1BFF;
	s22 =	sshll.u32 s8, $0x1;
	s5 =	sadd.s32 s6, s20  }
0x9e: {  	s9 =	simm.s32 $0x0;
	s21 =	sshll.u32 s7, $0x1;
	s7 =	sadd.s32 s22, s5  }
0x9f: {  	[timem:s9], [sflag:s23] =	dma.local [hbm:s7], s21  }
0xa0: {  	_ =	swait.ge [sflag:s23], s21  }
0xa1: {  	s6 =	ssub.s32 $0x0, s21;
	[sflag:s23] =	ssyncset.done $0x0  }
0xa2: {  	[sflag:s23] =	ssyncadd.s32 s6;
	_ =	sdelay $0x1  }
0xa3: {  	s24 =	simm.s32 $0x1B8B  }
0xa4: {  	_ =	swait.ge [sflag:s24], $0x1  }
0xa5: {  	[sflag:s24] =	ssyncset.done $0x0  }
0xa6: {  	s25 =	simm.s32 $0x1B8E;
	[sflag:s24] =	ssyncadd.s32 $0xFFFFFFFF  }
0xa7: {  	s26 =	simm.s32 $execute0_lowered;
	[smem:$0x3FD2] =	sst s25  }
0xa8: {  	s6 =	sshll.u32 s26, $0x1;
	_ =	strace $0x80000046;
	[dreg:$0x1] =	wrdreg $0xFFFFFFFF  }
0xa9: {  	s28 =	simm.s32 $_size_execute0_lowered;
	s5 =	sadd.s32 s5, s6;
	[dreg:$0x0] =	wrdreg $0x0  }
0xaa: {  	s6 =	sshll.u32 s28, $0x1;
	[dreg:$0x2] =	wrdreg s5  }
0xab: {  	[dreg:$0x3] =	wrdreg s6  }
0xac: {  	[dreg:$0x4] =	wrdreg $0xC0  }
0xad: {  	_ =	task [dreg:s9], $0x5FFFF  }
0xae: {  	[dreg:$0x1] =	wrdreg $0xFFFFFFFF  }
0xaf: {  	[dreg:$0x0] =	wrdreg $0x60  }
0xb0: {  	[dreg:$0x2] =	wrdreg s2  }
0xb1: {  	[dreg:$0x3] =	wrdreg s19  }
0xb2: {  	[dreg:$0x4] =	wrdreg s4  }
0xb3: {  	[dreg:$0x5] =	wrdreg $0x9  }
0xb4: {  	_ =	task.clear_ibuf [dreg:s9], $0x6FFFF;
	_ =	strace $0x90000046  }
0xb5: {  	s29 =	simm.s32 $0x9;
	_ =	strace $0x80000048  }
0xb6: {  	_ =	swait.ge [sflag:s29], $0x1  }
0xb7: {  	[sflag:s29] =	ssyncadd.s32 $0xFFFFFFFF  }
0xb8: {  	_ =	strace $0x90000048  }
0xb9: {  	_ =	sfence  }
0xba: {  	s30 =	sld [smem:$0x0];
	_ =	sdelay $0x2  }
0xbb: {  	s31 =	sshll.u32 s1, $0xD;
	s1 =	sshrl.u32 s1, $0x2  }
0xbc: {  	s3 =	sand.u32 $0x4000, s31;
	s1 =	sadd.s32 s1, s30  }
0xbd: {  	s0 =	sor.u32 s3, s0;
	s1 =	sshll.u32 s1, $0x11  }
0xbe: {  	s0 =	sor.u32 s1, s0  }
0xbf: {  	s0 =	sadd.s32 $0x8F2B, s0  }
0xc0: {  	[sflag:s0] =	ssyncadd.remote.s32 $0x1  }
0xc1: {  	_ =	sfence.sel $0xFFFF  }
0xc2: {  	[dreg:$0x0] =	wrdreg $0xFFFFFFFF;
	(pc) =	sbr.abs _section_cstart, $3  }
0xc3: {  	[dreg:$0x1] =	wrdreg $0xFFFFFFFF  }
0xc4: {  	_ =	task.clear_ibuf [dreg:s9], $0x2FFFF;
	_ =	strace $0x9FFFFFFF  }
0xc5: {  	(tm) =	ssettm $0x7FFFFFFF  }
tec
execute0_lowered:
.L_overlay_start_1:
0x0: {  	(tag) =	ssettag $0x1  }
0x1: {  	s8 =	rddreg [dreg:$0x0]  }
0x2: {  	s0 =	rddreg [dreg:$0x1]  }
0x3: {  	s3 =	rddreg [dreg:$0x2];
	s6 =	stileid.u32  }
0x4: {  	s1 =	srdreg.scid;
	s4 =	simm.s32 $0x0;
	s13 =	simm.s32 $0x400  }
0x5: {  	s18 =	simm.s32 $0x1;
	s21 =	simm.s32 $0x100000;
	s22 =	simm.s32 $0xAC00  }
0x6: {  	s23 =	simm.s32 $0x11000;
	s24 =	simm.s32 $0x2;
	s25 =	simm.s32 $0x3  }
0x7: {  	s2 =	sshll.u32 s6, $0x1;
	s1 =	sand.u32 $0x1, s1;
	[smem:$0x7FF] =	sst s4  }
0x8: {  	s6 =	sshrl.u32 s6, $0x2;
	s2 =	sand.u32 $0x6, s2;
	s5 =	ssub.s32 $0x2, s1  }
0x9: {  	_ =	strace $0x80000047;
	s28 =	sshll.u32 s6, $0xC;
	s29 =	sshll.u32 s6, $0xF  }
0xa: {  	s1 =	sor.u32 s1, s2;
	s26 =	sshrl.u32 s5, $0x1;
	s6 =	sor.u32 $0x400, s29  }
0xb: {  	s2 =	ssub.s32 s5, s26;
	s5 =	sadd.s32 s8, s28;
	[dreg:$0x6] =	wrdreg s6  }
0xc: {  	s7 =	smul.u32 $0xE80, s1;
	s30 =	smax.u32 s2, $0x1;
	[dreg:$0x5] =	wrdreg s5  }
0xd: {  	s1 =	sshll.u32 s1, $0x11;
	s31 =	sadd.s32 $0x18000, s5;
	[dreg:$0x8] =	wrdreg s30  }
0xe: {  	s26 =	simm.s32 $0x4;
	s0 =	sadd.s32 s0, s7;
	[dreg:$0x9] =	wrdreg s31  }
0xf: {  	s9 =	smov.u32 s1;
	[dreg:$0x4] =	wrdreg s0;
	s0 =	sor.u32 s29, s1  }
0x10: {  	s10 =	sadd.s32 $0x100, s5;
	s1 =	simm.s32 $0x0;
	[dreg:$0x7] =	wrdreg s0  }
.LBB2_1:
0x11: {  	[dreg:$0xa] =	wrdreg s1  }
0x12: {  	s0 =	rddreg [dreg:$0x4];
	s19 =	simm.s32 $0x5  }
0x13: {  	[tilespmem:s4], [sflag:$0x5] =	stream.linear.gather [hbm4b:s0+s4], $0x7400, $0x38;
	[tilespmem:$0x17400] =	vst v63  }
0x14: {  	_ =	swait.ge [sflag:s19], $0x7400  }
0x15: {  	s28 =	simm.s32 $0x20000;
	[sflag:s19] =	ssyncset.done $0x0  }
0x16: {  	s2 =	simm.s32 $0x7400;
	s20 =	rddreg [dreg:$0x5];
	[sflag:s19] =	ssyncadd.s32 $0xFFFF8C00  }
0x17: {  	[tilespmem:s2], [sflag:$0x1] =	stream.strided.gather [hbm4b:s20+s13], $0x1800, s28, s13, $0x38;
	[tilespmem:$0x17400] =	vst v63  }
0x18: {  	s31 =	simm.s32 $0x8C00;
	s30 =	simm.s32 $0x0;
	s29 =	rddreg [dreg:$0x9]  }
0x19: {  	[tilespmem:s31], [sflag:$0x1] =	stream.linear.gather [hbm4b:s29+s4], $0x100, $0x38;
	[tilespmem:$0x17400] =	vst v63  }
.LBB2_2:
0x1a: {  	_ =	swait.ge [sflag:s18], $0x1900  }
0x1b: {  	s31 =	sshll.u32 s30, $0xB;
	s0 =	rddreg [dreg:$0x6];
	[sflag:s18] =	ssyncset.done $0x0  }
0x1c: {  	s29 =	sor.u32 s0, s31;
	[sflag:s18] =	ssyncadd.s32 $0xFFFFE700  }
0x1d: {  	s0 =	sshrl.u32 s29, $0x3;
	s1 =	rddreg [dreg:$0x0]  }
0x1e: {  	s6 =	simm.s32 $0x20000;
	s2 =	simm.s32 $0x9000;
	s0 =	sadd.s32 s1, s0  }
0x1f: {  	[tilespmem:s2], [sflag:$0x2] =	stream.strided.gather [hbm4b:s0+s13], $0x1800, s6, s13, $0x38;
	[tilespmem:$0x17400] =	vst v63  }
0x20: {  	s7 =	simm.s32 $0xA800;
	p0 =	seq.s32 s30, $0x0;
	s0 =	sadd.s32 $0x18000, s0  }
0x21: {  	[tilespmem:s7], [sflag:$0x2] =	stream.linear.gather [hbm4b:s0+s4], $0x100, $0x38;
	[tilespmem:$0x17400] =	vst v63  }
0x22: {  	s8 =	simm.s32 $0x0;
	s11 =	simm.s32 $0x0;
	s0 =	simm.s32 @!p0 $0x3  }
0x23: {  	s1 =	sand.u32 $0x60, s8;
	s2 =	sand.u32 $0x3FFFFF80, s11;
	_ =	swait.ge @!p0 [sflag:s0], $0x6400  }
0x24: {  	s5 =	sor.u32 $0x10, s1;
	s2 =	sadd.s32 $0x7400, s2;
	[sflag:s0] =	ssyncset.done @!p0 $0x0  }
0x25: {  	s12 =	sor.u32 s5, s2;
	[sflag:s0] =	ssyncadd.s32 @!p0 $0xFFFF9C00  }
0x26: {  	v0 =	vld [tilespmem:s12+$0x0];
	_ =	sdelay $0x4  }
0x27: {  	v1 =	vshll.u32 v0, $0x3  }
0x28: {  	v0 =	vand.u32 $0x7F, v0;
	v1 =	vand.u32 $0xFFFFFC00, v1  }
0x29: {  	s14 =	sor.u32 s1, s2;
	v1 =	vor.u32 v0, v1  }
0x2a: {  	v0 =	vld [tilespmem:s14+$0x0];
	_ =	sdelay $0x3  }
0x2b: {  	s15 =	simm.s32 $0x20;
	s16 =	simm.s32 $0x20;
	v3 =	vld.idx.msk [tilespmem:v1+s4+$0x0], $0xffff  }
0x2c: {  	s2 =	sand.u32 $0x60, s16;
	s7 =	simm.s32 $0x0;
	s0 =	sand.u32 $0x3FFFFF80, s15;
	v4 =	vor.u32 $0x80, v1;
	v2 =	vshll.u32 v0, $0x3  }
0x2d: {  	s11 =	sor.u32 $0x10, s2;
	s7 =	sand.u32 $0x3FFFFC00, s7;
	s0 =	sadd.s32 $0x7400, s0;
	v0 =	vand.u32 $0x7F, v0;
	v2 =	vand.u32 $0xFFFFFC00, v2  }
0x2e: {  	s7 =	sadd.s32 $0xAC00, s7;
	s12 =	sor.u32 s11, s0;
	v2 =	vor.u32 v0, v2  }
0x2f: {  	s16 =	sor.u32 s5, s7;
	s0 =	sor.u32 s2, s0;
	v0 =	vld [tilespmem:s12+$0x0]  }
0x30: {  	[tilespmem:s16+$0x0] =	vst v3;
	v3 =	vld [tilespmem:s0+$0x0]  }
0x31: {  	v4 =	vld.idx.msk [tilespmem:v4+s4+$0x0], $0xffff  }
0x32: {  	v5 =	vor.u32 $0x100, v1  }
0x33: {  	v6 =	vld.idx.msk [tilespmem:v2+s4+$0x0], $0xffff  }
0x34: {  	v7 =	vor.u32 $0x80, v2;
	v8 =	vshll.u32 v0, $0x3  }
0x35: {  	v0 =	vand.u32 $0x7F, v0;
	v8 =	vand.u32 $0xFFFFFC00, v8;
	v9 =	vshll.u32 v3, $0x3  }
0x36: {  	v10 =	vand.u32 $0x7F, v3;
	v3 =	vor.u32 v0, v8;
	[tilespmem:s16+$0x80] =	vst v4;
	v0 =	vand.u32 $0xFFFFFC00, v9  }
0x37: {  	s1 =	sor.u32 s1, s7;
	v5 =	vld.idx.msk [tilespmem:v5+s4+$0x0], $0xffff;
	v4 =	vor.u32 v10, v0  }
0x38: {  	[tilespmem:s1+$0x0] =	vst v6;
	v0 =	vor.u32 $0x180, v1  }
0x39: {  	v6 =	vld.idx.msk [tilespmem:v7+s4+$0x0], $0xffff  }
0x3a: {  	s17 =	simm.s32 $0x40;
	s19 =	simm.s32 $0x40;
	v7 =	vor.u32 $0x100, v2  }
0x3b: {  	s5 =	sand.u32 $0x60, s19;
	s0 =	sand.u32 $0x3FFFFF80, s17;
	v8 =	vld.idx.msk [tilespmem:v3+s4+$0x0], $0xffff  }
0x3c: {  	s20 =	simm.s32 $0x100;
	s6 =	sor.u32 $0x10, s5;
	s0 =	sadd.s32 $0x7400, s0;
	v10 =	vor.u32 $0x80, v3;
	v9 =	vld.idx.msk [tilespmem:v4+s4+$0x0], $0xffff;
	[tilespmem:s16+$0x100] =	vst v5  }
0x3d: {  	s12 =	sand.u32 $0x3FFFFC00, s20;
	s15 =	sor.u32 s6, s0;
	v0 =	vld.idx.msk [tilespmem:v0+s4+$0x0], $0xffff  }
0x3e: {  	v11 =	vor.u32 $0x200, v1;
	s12 =	sadd.s32 $0xAC00, s12;
	[tilespmem:s1+$0x80] =	vst v6;
	v6 =	vld [tilespmem:s15+$0x0]  }
0x3f: {  	s11 =	sor.u32 s11, s12;
	s8 =	sor.u32 s5, s0;
	v7 =	vld.idx.msk [tilespmem:v7+s4+$0x0], $0xffff  }
0x40: {  	v5 =	vor.u32 $0x80, v4;
	[tilespmem:s11+$0x0] =	vst v8;
	v8 =	vld [tilespmem:s8+$0x0]  }
0x41: {  	v12 =	vor.u32 $0x180, v2;
	v10 =	vld.idx.msk [tilespmem:v10+s4+$0x0], $0xffff  }
0x42: {  	s0 =	sor.u32 s2, s12;
	[tilespmem:s16+$0x180] =	vst v0  }
0x43: {  	s14 =	simm.s32 $0x60;
	s15 =	simm.s32 $0x60;
	[tilespmem:s0+$0x0] =	vst v9;
	v9 =	vor.u32 $0x100, v3;
	v0 =	vshll.u32 v6, $0x3;
	v11 =	vld.idx.msk [tilespmem:v11+s4+$0x0], $0xffff  }
0x44: {  	s12 =	sand.u32 $0x3FFFFF80, s14;
	s2 =	sand.u32 $0x60, s15;
	v6 =	vand.u32 $0x7F, v6;
	[tilespmem:s1+$0x100] =	vst v7;
	v0 =	vand.u32 $0xFFFFFC00, v0;
	v7 =	vor.u32 $0x280, v1  }
0x45: {  	s17 =	simm.s32 $0x200;
	s12 =	sadd.s32 $0x7400, s12;
	s19 =	sor.u32 $0x10, s2;
	v5 =	vld.idx.msk [tilespmem:v5+s4+$0x0], $0xffff;
	v14 =	vshll.u32 v8, $0x3;
	v0 =	vor.u32 v6, v0  }
0x46: {  	v13 =	vor.u32 $0x100, v4;
	s15 =	sand.u32 $0x3FFFFC00, s17;
	s17 =	sor.u32 s19, s12;
	v12 =	vld.idx.msk [tilespmem:v12+s4+$0x0], $0xffff;
	v8 =	vand.u32 $0x7F, v8;
	[tilespmem:s11+$0x80] =	vst v10;
	v10 =	vand.u32 $0xFFFFFC00, v14  }
0x47: {  	v15 =	vld [tilespmem:s17+$0x0];
	v8 =	vor.u32 v8, v10  }
0x48: {  	v6 =	vor.u32 $0x200, v2;
	v9 =	vld.idx.msk [tilespmem:v9+s4+$0x0], $0xffff;
	[tilespmem:s16+$0x200] =	vst v11  }
0x49: {  	v10 =	vor.u32 $0x180, v3;
	v7 =	vld.idx.msk [tilespmem:v7+s4+$0x0], $0xffff  }
0x4a: {  	[tilespmem:s0+$0x80] =	vst v5;
	v11 =	vld.idx.msk [tilespmem:v0+s4+$0x0], $0xffff  }
0x4b: {  	v5 =	vld.idx.msk [tilespmem:v13+s4+$0x0], $0xffff;
	[tilespmem:s1+$0x180] =	vst v12;
	v12 =	vor.u32 $0x300, v1  }
0x4c: {  	v14 =	vor.u32 $0x80, v0;
	v13 =	vld.idx.msk [tilespmem:v8+s4+$0x0], $0xffff  }
0x4d: {  	s15 =	sadd.s32 $0xAC00, s15;
	v6 =	vld.idx.msk [tilespmem:v6+s4+$0x0], $0xffff;
	[tilespmem:s11+$0x100] =	vst v9;
	v9 =	vor.u32 $0x80, v8  }
0x4e: {  	s12 =	sor.u32 s2, s12;
	s17 =	sor.u32 s6, s15;
	v10 =	vld.idx.msk [tilespmem:v10+s4+$0x0], $0xffff;
	[tilespmem:s16+$0x280] =	vst v7  }
0x4f: {  	s7 =	simm.s32 $0x80;
	s20 =	simm.s32 $0x80;
	v16 =	vor.u32 $0x200, v3;
	[tilespmem:s17+$0x0] =	vst v11;
	v11 =	vld [tilespmem:s12+$0x0]  }
0x50: {  	s15 =	sor.u32 s5, s15;
	s5 =	sand.u32 $0x3FFFFF80, s20;
	v7 =	vor.u32 $0x180, v4;
	s12 =	sand.u32 $0x60, s7;
	v12 =	vld.idx.msk [tilespmem:v12+s4+$0x0], $0xffff  }
0x51: {  	v17 =	vor.u32 $0x280, v2;
	s14 =	sadd.s32 $0x7400, s5;
	v14 =	vld.idx.msk [tilespmem:v14+s4+$0x0], $0xffff;
	s28 =	sor.u32 $0x10, s12;
	[tilespmem:s15+$0x0] =	vst v13  }
0x52: {  	v13 =	vor.u32 $0x380, v1;
	s8 =	sor.u32 s28, s14;
	v9 =	vld.idx.msk [tilespmem:v9+s4+$0x0], $0xffff  }
0x53: {  	v18 =	vor.u32 $0x100, v0;
	[tilespmem:s11+$0x180] =	vst v10;
	v21 =	vld [tilespmem:s8+$0x0]  }
0x54: {  	[tilespmem:s0+$0x100] =	vst v5;
	v1 =	vshll.u32 v15, $0x3;
	v10 =	vor.u32 $0x100, v8;
	v5 =	vld.idx.msk [tilespmem:v16+s4+$0x0], $0xffff  }
0x55: {  	[tilespmem:s1+$0x200] =	vst v6;
	v1 =	vand.u32 $0xFFFFFC00, v1;
	v6 =	vld.idx.msk [tilespmem:v7+s4+$0x0], $0xffff;
	v7 =	vand.u32 $0x7F, v15;
	v15 =	vor.u32 $0x280, v3  }
0x56: {  	v16 =	vld.idx.msk [tilespmem:v17+s4+$0x0], $0xffff;
	[tilespmem:s16+$0x300] =	vst v12;
	v12 =	vshll.u32 v11, $0x3;
	v1 =	vor.u32 v7, v1  }
0x57: {  	v7 =	vor.u32 $0x200, v4;
	v11 =	vand.u32 $0x7F, v11;
	[tilespmem:s17+$0x80] =	vst v14;
	v13 =	vld.idx.msk [tilespmem:v13+s4+$0x0], $0xffff;
	v12 =	vand.u32 $0xFFFFFC00, v12  }
0x58: {  	v14 =	vld.idx.msk [tilespmem:v18+s4+$0x0], $0xffff;
	v12 =	vor.u32 v11, v12;
	[tilespmem:s15+$0x80] =	vst v9  }
0x59: {  	v10 =	vld.idx.msk [tilespmem:v10+s4+$0x0], $0xffff;
	[tilespmem:s11+$0x200] =	vst v5  }
0x5a: {  	v9 =	vor.u32 $0x180, v0;
	v11 =	vld.idx.msk [tilespmem:v15+s4+$0x0], $0xffff  }
0x5b: {  	v5 =	vor.u32 $0x300, v2;
	[tilespmem:s0+$0x180] =	vst v6;
	v6 =	vld.idx.msk [tilespmem:v1+s4+$0x0], $0xffff  }
0x5c: {  	[tilespmem:s1+$0x280] =	vst v16;
	v15 =	vld.idx.msk [tilespmem:v7+s4+$0x0], $0xffff;
	v7 =	vor.u32 $0x300, v3  }
0x5d: {  	s20 =	simm.s32 $0x300;
	v20 =	vor.u32 $0x180, v8;
	s14 =	sor.u32 s12, s14;
	[tilespmem:s17+$0x100] =	vst v14;
	v17 =	vld.idx.msk [tilespmem:v12+s4+$0x0], $0xffff  }
0x5e: {  	s6 =	sand.u32 $0x3FFFFC00, s20;
	v23 =	vld [tilespmem:s14+$0x0];
	v18 =	vor.u32 $0x80, v1;
	[tilespmem:s16+$0x380] =	vst v13  }
0x5f: {  	s6 =	sadd.s32 $0xAC00, s6;
	v16 =	vor.u32 $0x80, v12;
	v14 =	vld.idx.msk [tilespmem:v9+s4+$0x0], $0xffff;
	[tilespmem:s15+$0x100] =	vst v10  }
0x60: {  	v22 =	vor.u32 $0x280, v4;
	s5 =	sor.u32 s19, s6;
	v19 =	vld.idx.msk [tilespmem:v5+s4+$0x0], $0xffff;
	[tilespmem:s11+$0x280] =	vst v11  }
0x61: {  	s16 =	sor.u32 s2, s6;
	v5 =	vor.u32 $0x200, v0;
	[tilespmem:s5+$0x0] =	vst v6;
	v6 =	vld.idx.msk [tilespmem:v7+s4+$0x0], $0xffff  }
0x62: {  	v24 =	vor.u32 $0x380, v2;
	v28 =	vor.u32 $0x280, v0;
	v27 =	vld.idx.msk [tilespmem:v20+s4+$0x0], $0xffff;
	[tilespmem:s16+$0x0] =	vst v17;
	v17 =	vor.u32 $0x380, v3  }
0x63: {  	v2 =	vor.u32 $0x380, v4;
	v26 =	vor.u32 $0x100, v12;
	v13 =	vor.u32 $0x180, v12;
	v18 =	vld.idx.msk [tilespmem:v18+s4+$0x0], $0xffff  }
0x64: {  	v9 =	vor.u32 $0x300, v4;
	v4 =	vor.u32 $0x300, v8;
	[tilespmem:s0+$0x200] =	vst v15;
	v25 =	vld.idx.msk [tilespmem:v16+s4+$0x0], $0xffff;
	v16 =	vor.u32 $0x100, v1  }
0x65: {  	v10 =	vor.u32 $0x200, v12;
	v11 =	vor.u32 $0x200, v8;
	v7 =	vor.u32 $0x280, v8;
	v20 =	vld.idx.msk [tilespmem:v22+s4+$0x0], $0xffff;
	[tilespmem:s17+$0x180] =	vst v14  }
0x66: {  	v15 =	vand.u32 $0x7F, v21;
	v3 =	vor.u32 $0x380, v8;
	v14 =	vld.idx.msk [tilespmem:v5+s4+$0x0], $0xffff;
	[tilespmem:s11+$0x300] =	vst v6;
	v6 =	vshll.u32 v21, $0x3  }
0x67: {  	v8 =	vor.u32 $0x280, v12;
	v5 =	vor.u32 $0x300, v12;
	v22 =	vld.idx.msk [tilespmem:v17+s4+$0x0], $0xffff;
	v17 =	vand.u32 $0xFFFFFC00, v6  }
0x68: {  	v21 =	vshll.u32 v23, $0x3;
	[tilespmem:s5+$0x80] =	vst v18;
	v6 =	vor.u32 $0x380, v12;
	v12 =	vor.u32 v15, v17  }
0x69: {  	[tilespmem:s1+$0x300] =	vst v19;
	v18 =	vand.u32 $0x7F, v23;
	v19 =	vand.u32 $0xFFFFFC00, v21;
	v23 =	vld.idx.msk [tilespmem:v16+s4+$0x0], $0xffff  }
0x6a: {  	v16 =	vor.u32 v18, v19;
	[tilespmem:s16+$0x80] =	vst v25;
	v19 =	vld.idx.msk [tilespmem:v24+s4+$0x0], $0xffff  }
0x6b: {  	[tilespmem:s17+$0x200] =	vst v14;
	v18 =	vor.u32 $0x80, v16;
	v15 =	vor.u32 $0x100, v16;
	v24 =	vld.idx.msk [tilespmem:v26+s4+$0x0], $0xffff;
	v26 =	vor.u32 $0x180, v1  }
0x6c: {  	s19 =	simm.s32 $0x8;
	s2 =	simm.s32 $0x8;
	[tilespmem:s15+$0x180] =	vst v27;
	v17 =	vor.u32 $0x180, v16;
	v25 =	vor.u32 $0x200, v16;
	v14 =	vor.u32 $0x280, v16;
	v21 =	vld.idx.msk [tilespmem:v28+s4+$0x0], $0xffff  }
.LBB2_3:
0x6d: {  	s2 =	sadd.s32 $0x2, s2;
	v27 =	vor.u32 $0x300, v16;
	v28 =	vor.u32 $0x380, v16;
	v29 =	vld.idx.msk [tilespmem:v12+s4+$0x0], $0xffff;
	[tilespmem:s0+$0x280] =	vst v20  }
0x6e: {  	s7 =	sadd.s32 $0x20, s7;
	v30 =	vor.u32 $0x300, v0;
	s6 =	sshll.u32 s2, $0x4;
	p1 =	slt.u32 s2, $0xC6;
	v20 =	vld.idx.msk [tilespmem:v11+s4+$0x0], $0xffff;
	[tilespmem:s11+$0x380] =	vst v22;
	v11 =	vmov v10;
	v10 =	vmov v25  }
0x6f: {  	s14 =	sshll.u32 s19, $0x7;
	s11 =	sand.u32 $0x60, s7;
	v22 =	vor.u32 $0x80, v12;
	s6 =	sand.u32 $0x3FFFFF80, s6;
	v16 =	vld.idx.msk [tilespmem:v16+s4+$0x0], $0xffff;
	[tilespmem:s5+$0x100] =	vst v23  }
0x70: {  	s14 =	sand.u32 $0x3FFFFC00, s14;
	s20 =	sor.u32 $0x10, s11;
	s6 =	sadd.s32 $0x7400, s6;
	v23 =	vld.idx.msk [tilespmem:v26+s4+$0x0], $0xffff;
	[tilespmem:s1+$0x380] =	vst v19  }
0x71: {  	s8 =	sor.u32 s11, s6;
	s1 =	sor.u32 s20, s6;
	s6 =	sadd.s32 $0xAC00, s14;
	[tilespmem:s16+$0x100] =	vst v24;
	v19 =	vld.idx.msk [tilespmem:v9+s4+$0x0], $0xffff;
	v9 =	vmov v4;
	v4 =	vmov v5;
	v5 =	vmov v27  }
0x72: {  	v25 =	vor.u32 $0x200, v1;
	s19 =	smov.u32 s2;
	v24 =	vld [tilespmem:s1+$0x0];
	s14 =	sor.u32 s12, s6;
	s6 =	sor.u32 s28, s6;
	[tilespmem:s17+$0x280] =	vst v21  }
0x73: {  	s12 =	smov.u32 s11;
	s28 =	smov.u32 s20;
	s1 =	smov.u32 s0;
	[tilespmem:s6+$0x0] =	vst v29;
	v21 =	vld.idx.msk [tilespmem:v30+s4+$0x0], $0xffff  }
0x74: {  	s0 =	smov.u32 s15;
	v22 =	vld.idx.msk [tilespmem:v22+s4+$0x0], $0xffff;
	[tilespmem:s15+$0x200] =	vst v20;
	s15 =	smov.u32 s16;
	s16 =	smov.u32 s14  }
0x75: {  	s11 =	smov.u32 s17;
	s17 =	smov.u32 s5;
	s5 =	smov.u32 s6;
	v26 =	vld [tilespmem:s8+$0x0];
	[tilespmem:s16+$0x0] =	vst v16;
	v16 =	vor.u32 $0x380, v0;
	v0 =	vmov v1;
	v1 =	vmov v12  }
0x76: {  	v18 =	vld.idx.msk [tilespmem:v18+s4+$0x0], $0xffff;
	v27 =	vor.u32 $0x100, v1;
	[tilespmem:s17+$0x180] =	vst v23  }
0x77: {  	v25 =	vld.idx.msk [tilespmem:v25+s4+$0x0], $0xffff;
	[tilespmem:s1+$0x300] =	vst v19  }
0x78: {  	v12 =	vshll.u32 v24, $0x3;
	v29 =	vld.idx.msk [tilespmem:v13+s4+$0x0], $0xffff;
	v13 =	vmov v17  }
0x79: {  	v30 =	vor.u32 $0x280, v0;
	v17 =	vand.u32 $0x7F, v24;
	v12 =	vand.u32 $0xFFFFFC00, v12;
	v20 =	vld.idx.msk [tilespmem:v7+s4+$0x0], $0xffff;
	[tilespmem:s11+$0x300] =	vst v21;
	v7 =	vmovc v8;
	v8 =	vmovc v14  }
.Ltmp0:
0x7a: {  	v12 =	vor.u32 v17, v12;
	v14 =	vand.u32 $0x7F, v26;
	v19 =	vshll.u32 v26, $0x3;
	[tilespmem:s5+$0x80] =	vst v22;
	v22 =	vld.idx.msk [tilespmem:v16+s4+$0x0], $0xffff;
	(pc) =	sbr.rel @p1 .LBB2_3-.Ltmp0, $4  }
0x7b: {  	v16 =	vand.u32 $0xFFFFFC00, v19;
	v23 =	vld.idx.msk [tilespmem:v27+s4+$0x0], $0xffff  }
0x7c: {  	v16 =	vor.u32 v14, v16;
	[tilespmem:s16+$0x80] =	vst v18;
	v19 =	vld.idx.msk [tilespmem:v2+s4+$0x0], $0xffff;
	v2 =	vmovc v3;
	v3 =	vmov v6;
	v6 =	vmov v28  }
0x7d: {  	v26 =	vor.u32 $0x180, v1;
	v18 =	vor.u32 $0x80, v16;
	v24 =	vld.idx.msk [tilespmem:v15+s4+$0x0], $0xffff;
	v15 =	vor.u32 $0x100, v16;
	[tilespmem:s17+$0x200] =	vst v25  }
0x7e: {  	v17 =	vor.u32 $0x180, v16;
	v25 =	vor.u32 $0x200, v16;
	v14 =	vor.u32 $0x280, v16;
	[tilespmem:s15+$0x180] =	vst v29;
	v21 =	vld.idx.msk [tilespmem:v30+s4+$0x0], $0xffff  }
0x7f: {  	_ =	sdelay $0x3  }
0x80: {  	v27 =	vld.idx.msk [tilespmem:v12+s4+$0x0], $0xffff  }
0x81: {  	s2 =	sshll.u32 s19, $0x7;
	v28 =	vor.u32 $0x80, v12  }
0x82: {  	v29 =	vld.idx.msk [tilespmem:v16+s4+$0x0], $0xffff;
	s2 =	sand.u32 $0x3FFFFC00, s2  }
0x83: {  	s2 =	sadd.s32 $0xAC00, s2  }
0x84: {  	s7 =	sor.u32 s28, s2  }
0x85: {  	[tilespmem:s7+$0x0] =	vst v27  }
0x86: {  	s2 =	sor.u32 s12, s2;
	v27 =	vld.idx.msk [tilespmem:v28+s4+$0x0], $0xffff  }
0x87: {  	v62 =	vor.u32 $0x100, v12;
	[tilespmem:s2+$0x0] =	vst v29  }
0x88: {  	v18 =	vld.idx.msk [tilespmem:v18+s4+$0x0], $0xffff;
	_ =	sdelay $0x2  }
0x89: {  	[tilespmem:s7+$0x80] =	vst v27  }
0x8a: {  	[tilespmem:s0+$0x280] =	vst v20;
	v27 =	vld.idx.msk [tilespmem:v62+s4+$0x0], $0xffff  }
0x8b: {  	[tilespmem:s2+$0x80] =	vst v18;
	v18 =	vor.u32 $0x180, v12  }
0x8c: {  	[tilespmem:s5+$0x100] =	vst v23;
	v15 =	vld.idx.msk [tilespmem:v15+s4+$0x0], $0xffff  }
0x8d: {  	[tilespmem:s11+$0x380] =	vst v22;
	v20 =	vld.idx.msk [tilespmem:v26+s4+$0x0], $0xffff  }
0x8e: {  	v22 =	vor.u32 $0x200, v1;
	[tilespmem:s1+$0x380] =	vst v19  }
0x8f: {  	v11 =	vld.idx.msk [tilespmem:v11+s4+$0x0], $0xffff;
	[tilespmem:s7+$0x100] =	vst v27  }
0x90: {  	[tilespmem:s16+$0x100] =	vst v24;
	v18 =	vld.idx.msk [tilespmem:v18+s4+$0x0], $0xffff  }
0x91: {  	v13 =	vld.idx.msk [tilespmem:v13+s4+$0x0], $0xffff;
	[tilespmem:s2+$0x100] =	vst v15;
	v15 =	vor.u32 $0x200, v12  }
0x92: {  	v9 =	vld.idx.msk [tilespmem:v9+s4+$0x0], $0xffff;
	[tilespmem:s5+$0x180] =	vst v20  }
0x93: {  	[tilespmem:s17+$0x280] =	vst v21;
	v20 =	vld.idx.msk [tilespmem:v22+s4+$0x0], $0xffff  }
0x94: {  	v21 =	vor.u32 $0x280, v1;
	[tilespmem:s15+$0x200] =	vst v11;
	v17 =	vld.idx.msk [tilespmem:v17+s4+$0x0], $0xffff  }
0x95: {  	[tilespmem:s7+$0x180] =	vst v18  }
0x96: {  	v19 =	vor.u32 $0x300, v0;
	[tilespmem:s16+$0x180] =	vst v13;
	v13 =	vld.idx.msk [tilespmem:v15+s4+$0x0], $0xffff  }
0x97: {  	[tilespmem:s0+$0x300] =	vst v9;
	v10 =	vld.idx.msk [tilespmem:v10+s4+$0x0], $0xffff;
	v15 =	vor.u32 $0x280, v12  }
0x98: {  	v7 =	vld.idx.msk [tilespmem:v7+s4+$0x0], $0xffff;
	[tilespmem:s5+$0x200] =	vst v20  }
0x99: {  	v9 =	vld.idx.msk [tilespmem:v21+s4+$0x0], $0xffff;
	[tilespmem:s2+$0x180] =	vst v17  }
0x9a: {  	v18 =	vor.u32 $0x300, v1;
	v11 =	vld.idx.msk [tilespmem:v25+s4+$0x0], $0xffff  }
0x9b: {  	v17 =	vld.idx.msk [tilespmem:v19+s4+$0x0], $0xffff;
	[tilespmem:s7+$0x200] =	vst v13  }
0x9c: {  	v0 =	vor.u32 $0x380, v0;
	[tilespmem:s16+$0x200] =	vst v10;
	v10 =	vld.idx.msk [tilespmem:v15+s4+$0x0], $0xffff  }
0x9d: {  	[tilespmem:s15+$0x280] =	vst v7;
	v8 =	vld.idx.msk [tilespmem:v8+s4+$0x0], $0xffff;
	v13 =	vor.u32 $0x300, v12  }
0x9e: {  	v4 =	vld.idx.msk [tilespmem:v4+s4+$0x0], $0xffff;
	[tilespmem:s5+$0x280] =	vst v9  }
0x9f: {  	v7 =	vld.idx.msk [tilespmem:v18+s4+$0x0], $0xffff;
	[tilespmem:s2+$0x200] =	vst v11  }
0xa0: {  	[tilespmem:s17+$0x300] =	vst v17;
	v11 =	vld.idx.msk [tilespmem:v14+s4+$0x0], $0xffff  }
0xa1: {  	v0 =	vld.idx.msk [tilespmem:v0+s4+$0x0], $0xffff;
	v14 =	vor.u32 $0x300, v16;
	[tilespmem:s7+$0x280] =	vst v10  }
0xa2: {  	[tilespmem:s16+$0x280] =	vst v8;
	v1 =	vor.u32 $0x380, v1;
	v8 =	vld.idx.msk [tilespmem:v13+s4+$0x0], $0xffff  }
0xa3: {  	v2 =	vld.idx.msk [tilespmem:v2+s4+$0x0], $0xffff;
	[tilespmem:s15+$0x300] =	vst v4;
	v9 =	vor.u32 $0x380, v12  }
0xa4: {  	v3 =	vld.idx.msk [tilespmem:v3+s4+$0x0], $0xffff;
	[tilespmem:s5+$0x300] =	vst v7  }
0xa5: {  	v5 =	vld.idx.msk [tilespmem:v5+s4+$0x0], $0xffff;
	[tilespmem:s2+$0x280] =	vst v11  }
0xa6: {  	[tilespmem:s17+$0x380] =	vst v0;
	v0 =	vld.idx.msk [tilespmem:v14+s4+$0x0], $0xffff  }
0xa7: {  	v1 =	vld.idx.msk [tilespmem:v1+s4+$0x0], $0xffff;
	v10 =	vor.u32 $0x380, v16;
	[tilespmem:s7+$0x300] =	vst v8  }
0xa8: {  	[tilespmem:s0+$0x380] =	vst v2;
	v4 =	vld.idx.msk [tilespmem:v9+s4+$0x0], $0xffff  }
0xa9: {  	[tilespmem:s15+$0x380] =	vst v3  }
0xaa: {  	[tilespmem:s16+$0x300] =	vst v5  }
0xab: {  	v5 =	vld.idx.msk [tilespmem:v6+s4+$0x0], $0xffff;
	[tilespmem:s2+$0x300] =	vst v0  }
0xac: {  	[tilespmem:s5+$0x380] =	vst v1;
	v0 =	vld.idx.msk [tilespmem:v10+s4+$0x0], $0xffff  }
0xad: {  	[tilespmem:s7+$0x380] =	vst v4  }
0xae: {  	s0 =	rddreg [dreg:$0x7]  }
0xaf: {  	s0 =	sor.u32 s31, s0  }
0xb0: {  	[tilespmem:s16+$0x380] =	vst v5;
	s31 =	sshrl.u32 s0, $0x3  }
0xb1: {  	[tilespmem:s2+$0x380] =	vst v0;
	s0 =	sadd.s32 s3, s31  }
0xb2: {  	[hbm4b:s0+s13] =	stream.strided.scatter [tilespmem:s22], [sflag:$0x3], $0x6400, s21, s13, $0x38;
	[tilespmem:$0x17400] =	vst v63  }
0xb3: {  	s19 =	simm.s32 $0x0;
	s17 =	simm.s32 $0x0;
	s0 =	simm.s32 @!p0 $0x4  }
0xb4: {  	s1 =	sand.u32 $0x60, s17;
	s2 =	sand.u32 $0x3FFFFF80, s19;
	_ =	swait.ge @!p0 [sflag:s0], $0x6400  }
0xb5: {  	s20 =	sor.u32 $0x10, s1;
	s2 =	sadd.s32 $0x8080, s2;
	[sflag:s0] =	ssyncset.done @!p0 $0x0  }
0xb6: {  	s6 =	sor.u32 s20, s2;
	[sflag:s0] =	ssyncadd.s32 @!p0 $0xFFFF9C00  }
0xb7: {  	v0 =	vld [tilespmem:s6+$0x0];
	_ =	sdelay $0x4  }
0xb8: {  	v1 =	vshll.u32 v0, $0x3  }
0xb9: {  	v0 =	vand.u32 $0x7F, v0;
	v1 =	vand.u32 $0xFFFFFC00, v1  }
0xba: {  	s7 =	sor.u32 s1, s2;
	v1 =	vor.u32 v0, v1  }
0xbb: {  	v0 =	vld [tilespmem:s7+$0x0];
	_ =	sdelay $0x3  }
0xbc: {  	s8 =	simm.s32 $0x20;
	s11 =	simm.s32 $0x20;
	v3 =	vld.idx.msk [tilespmem:v1+s4+$0x0], $0xffff  }
0xbd: {  	s2 =	sand.u32 $0x60, s11;
	s0 =	sand.u32 $0x3FFFFF80, s8;
	s6 =	simm.s32 $0x0;
	v4 =	vor.u32 $0x80, v1;
	v2 =	vshll.u32 v0, $0x3  }
0xbe: {  	s8 =	sor.u32 $0x10, s2;
	s0 =	sadd.s32 $0x8080, s0;
	s6 =	sand.u32 $0x3FFFFC00, s6;
	v0 =	vand.u32 $0x7F, v0;
	v2 =	vand.u32 $0xFFFFFC00, v2  }
0xbf: {  	s12 =	sor.u32 s8, s0;
	s6 =	sadd.s32 $0x11000, s6;
	v2 =	vor.u32 v0, v2  }
0xc0: {  	s0 =	sor.u32 s2, s0;
	s16 =	sor.u32 s20, s6;
	v0 =	vld [tilespmem:s12+$0x0]  }
0xc1: {  	[tilespmem:s16+$0x0] =	vst v3;
	v3 =	vld [tilespmem:s0+$0x0]  }
0xc2: {  	v4 =	vld.idx.msk [tilespmem:v4+s4+$0x0], $0xffff  }
0xc3: {  	v5 =	vor.u32 $0x100, v1  }
0xc4: {  	v6 =	vld.idx.msk [tilespmem:v2+s4+$0x0], $0xffff  }
0xc5: {  	v7 =	vor.u32 $0x80, v2;
	v8 =	vshll.u32 v0, $0x3  }
0xc6: {  	v0 =	vand.u32 $0x7F, v0;
	v8 =	vand.u32 $0xFFFFFC00, v8;
	v9 =	vshll.u32 v3, $0x3  }
0xc7: {  	v10 =	vand.u32 $0x7F, v3;
	v3 =	vor.u32 v0, v8;
	[tilespmem:s16+$0x80] =	vst v4;
	v0 =	vand.u32 $0xFFFFFC00, v9  }
0xc8: {  	s1 =	sor.u32 s1, s6;
	v5 =	vld.idx.msk [tilespmem:v5+s4+$0x0], $0xffff;
	v4 =	vor.u32 v10, v0  }
0xc9: {  	[tilespmem:s1+$0x0] =	vst v6;
	v0 =	vor.u32 $0x180, v1  }
0xca: {  	v6 =	vld.idx.msk [tilespmem:v7+s4+$0x0], $0xffff  }
0xcb: {  	s14 =	simm.s32 $0x40;
	s15 =	simm.s32 $0x40;
	v7 =	vor.u32 $0x100, v2  }
0xcc: {  	s5 =	sand.u32 $0x60, s15;
	s0 =	sand.u32 $0x3FFFFF80, s14;
	v8 =	vld.idx.msk [tilespmem:v3+s4+$0x0], $0xffff  }
0xcd: {  	s17 =	simm.s32 $0x100;
	s7 =	sor.u32 $0x10, s5;
	s0 =	sadd.s32 $0x8080, s0;
	v10 =	vor.u32 $0x80, v3;
	v9 =	vld.idx.msk [tilespmem:v4+s4+$0x0], $0xffff;
	[tilespmem:s16+$0x100] =	vst v5  }
0xce: {  	s6 =	sand.u32 $0x3FFFFC00, s17;
	s19 =	sor.u32 s7, s0;
	v0 =	vld.idx.msk [tilespmem:v0+s4+$0x0], $0xffff  }
0xcf: {  	s6 =	sadd.s32 $0x11000, s6;
	v11 =	vor.u32 $0x200, v1;
	[tilespmem:s1+$0x80] =	vst v6;
	v6 =	vld [tilespmem:s19+$0x0]  }
0xd0: {  	s11 =	sor.u32 s8, s6;
	s20 =	sor.u32 s5, s0;
	v7 =	vld.idx.msk [tilespmem:v7+s4+$0x0], $0xffff  }
0xd1: {  	s15 =	simm.s32 $0x60;
	s14 =	simm.s32 $0x60;
	s0 =	sor.u32 s2, s6;
	v5 =	vor.u32 $0x80, v4;
	[tilespmem:s11+$0x0] =	vst v8;
	v8 =	vld [tilespmem:s20+$0x0]  }
0xd2: {  	s17 =	simm.s32 $0x200;
	v12 =	vor.u32 $0x180, v2;
	s2 =	sand.u32 $0x60, s15;
	s6 =	sand.u32 $0x3FFFFF80, s14;
	v10 =	vld.idx.msk [tilespmem:v10+s4+$0x0], $0xffff;
	[tilespmem:s0+$0x0] =	vst v9  }
0xd3: {  	s8 =	sand.u32 $0x3FFFFC00, s17;
	s6 =	sadd.s32 $0x8080, s6;
	s19 =	sor.u32 $0x10, s2;
	v9 =	vor.u32 $0x100, v3;
	[tilespmem:s16+$0x180] =	vst v0  }
0xd4: {  	s8 =	sadd.s32 $0x11000, s8;
	s20 =	sor.u32 s19, s6;
	v0 =	vshll.u32 v6, $0x3;
	v11 =	vld.idx.msk [tilespmem:v11+s4+$0x0], $0xffff  }
0xd5: {  	s17 =	sor.u32 s7, s8;
	s14 =	simm.s32 $0x80;
	s7 =	simm.s32 $0x80;
	v15 =	vld [tilespmem:s20+$0x0];
	v6 =	vand.u32 $0x7F, v6;
	[tilespmem:s1+$0x100] =	vst v7;
	v0 =	vand.u32 $0xFFFFFC00, v0;
	v7 =	vor.u32 $0x280, v1  }
0xd6: {  	s15 =	sor.u32 s5, s8;
	s12 =	sand.u32 $0x60, s7;
	s5 =	sand.u32 $0x3FFFFF80, s14;
	v5 =	vld.idx.msk [tilespmem:v5+s4+$0x0], $0xffff;
	v14 =	vshll.u32 v8, $0x3;
	v0 =	vor.u32 v6, v0  }
0xd7: {  	s8 =	sadd.s32 $0x8080, s5;
	s28 =	sor.u32 $0x10, s12;
	v13 =	vor.u32 $0x100, v4;
	s20 =	simm.s32 $0x300;
	v12 =	vld.idx.msk [tilespmem:v12+s4+$0x0], $0xffff;
	v8 =	vand.u32 $0x7F, v8;
	[tilespmem:s11+$0x80] =	vst v10;
	v10 =	vand.u32 $0xFFFFFC00, v14  }
0xd8: {  	s14 =	sand.u32 $0x3FFFFC00, s20;
	s20 =	sor.u32 s28, s8;
	v9 =	vld.idx.msk [tilespmem:v9+s4+$0x0], $0xffff;
	v8 =	vor.u32 v8, v10  }
0xd9: {  	v21 =	vld [tilespmem:s20+$0x0];
	v10 =	vor.u32 $0x180, v3;
	[tilespmem:s16+$0x200] =	vst v11  }
0xda: {  	v6 =	vor.u32 $0x200, v2;
	v7 =	vld.idx.msk [tilespmem:v7+s4+$0x0], $0xffff  }
0xdb: {  	[tilespmem:s0+$0x80] =	vst v5;
	v11 =	vld.idx.msk [tilespmem:v0+s4+$0x0], $0xffff  }
0xdc: {  	v5 =	vld.idx.msk [tilespmem:v13+s4+$0x0], $0xffff;
	[tilespmem:s1+$0x180] =	vst v12;
	v12 =	vor.u32 $0x300, v1  }
0xdd: {  	v14 =	vor.u32 $0x80, v0;
	v13 =	vld.idx.msk [tilespmem:v8+s4+$0x0], $0xffff;
	[tilespmem:s11+$0x100] =	vst v9  }
0xde: {  	v9 =	vor.u32 $0x80, v8;
	v10 =	vld.idx.msk [tilespmem:v10+s4+$0x0], $0xffff  }
0xdf: {  	v16 =	vor.u32 $0x200, v3;
	s6 =	sor.u32 s2, s6;
	v6 =	vld.idx.msk [tilespmem:v6+s4+$0x0], $0xffff;
	[tilespmem:s16+$0x280] =	vst v7  }
0xe0: {  	v7 =	vor.u32 $0x180, v4;
	[tilespmem:s17+$0x0] =	vst v11;
	v11 =	vld [tilespmem:s6+$0x0]  }
0xe1: {  	v17 =	vor.u32 $0x280, v2;
	v12 =	vld.idx.msk [tilespmem:v12+s4+$0x0], $0xffff  }
0xe2: {  	v14 =	vld.idx.msk [tilespmem:v14+s4+$0x0], $0xffff;
	[tilespmem:s15+$0x0] =	vst v13;
	v13 =	vor.u32 $0x380, v1  }
0xe3: {  	v18 =	vor.u32 $0x100, v0;
	v9 =	vld.idx.msk [tilespmem:v9+s4+$0x0], $0xffff;
	[tilespmem:s11+$0x180] =	vst v10  }
0xe4: {  	[tilespmem:s0+$0x100] =	vst v5;
	v1 =	vshll.u32 v15, $0x3;
	v10 =	vor.u32 $0x100, v8;
	v5 =	vld.idx.msk [tilespmem:v16+s4+$0x0], $0xffff  }
0xe5: {  	[tilespmem:s1+$0x200] =	vst v6;
	v1 =	vand.u32 $0xFFFFFC00, v1;
	v6 =	vld.idx.msk [tilespmem:v7+s4+$0x0], $0xffff;
	v7 =	vand.u32 $0x7F, v15;
	v15 =	vor.u32 $0x280, v3  }
0xe6: {  	v16 =	vld.idx.msk [tilespmem:v17+s4+$0x0], $0xffff;
	[tilespmem:s16+$0x300] =	vst v12;
	v12 =	vshll.u32 v11, $0x3;
	v1 =	vor.u32 v7, v1  }
0xe7: {  	v7 =	vor.u32 $0x200, v4;
	v11 =	vand.u32 $0x7F, v11;
	[tilespmem:s17+$0x80] =	vst v14;
	v13 =	vld.idx.msk [tilespmem:v13+s4+$0x0], $0xffff;
	v12 =	vand.u32 $0xFFFFFC00, v12  }
0xe8: {  	v14 =	vld.idx.msk [tilespmem:v18+s4+$0x0], $0xffff;
	v12 =	vor.u32 v11, v12;
	[tilespmem:s15+$0x80] =	vst v9  }
0xe9: {  	v10 =	vld.idx.msk [tilespmem:v10+s4+$0x0], $0xffff;
	[tilespmem:s11+$0x200] =	vst v5  }
0xea: {  	v9 =	vor.u32 $0x180, v0;
	v11 =	vld.idx.msk [tilespmem:v15+s4+$0x0], $0xffff  }
0xeb: {  	v5 =	vor.u32 $0x300, v2;
	[tilespmem:s0+$0x180] =	vst v6;
	v6 =	vld.idx.msk [tilespmem:v1+s4+$0x0], $0xffff  }
0xec: {  	[tilespmem:s1+$0x280] =	vst v16;
	v15 =	vld.idx.msk [tilespmem:v7+s4+$0x0], $0xffff;
	v7 =	vor.u32 $0x300, v3  }
0xed: {  	s20 =	sor.u32 s12, s8;
	v20 =	vor.u32 $0x180, v8;
	[tilespmem:s17+$0x100] =	vst v14;
	v17 =	vld.idx.msk [tilespmem:v12+s4+$0x0], $0xffff  }
0xee: {  	v23 =	vld [tilespmem:s20+$0x0];
	v18 =	vor.u32 $0x80, v1;
	[tilespmem:s16+$0x380] =	vst v13  }
0xef: {  	s14 =	sadd.s32 $0x11000, s14;
	v16 =	vor.u32 $0x80, v12;
	v14 =	vld.idx.msk [tilespmem:v9+s4+$0x0], $0xffff;
	[tilespmem:s15+$0x100] =	vst v10  }
0xf0: {  	v22 =	vor.u32 $0x280, v4;
	s5 =	sor.u32 s19, s14;
	v19 =	vld.idx.msk [tilespmem:v5+s4+$0x0], $0xffff;
	[tilespmem:s11+$0x280] =	vst v11  }
0xf1: {  	s16 =	sor.u32 s2, s14;
	v5 =	vor.u32 $0x200, v0;
	[tilespmem:s5+$0x0] =	vst v6;
	v6 =	vld.idx.msk [tilespmem:v7+s4+$0x0], $0xffff  }
0xf2: {  	v24 =	vor.u32 $0x380, v2;
	v63 =	vor.u32 $0x280, v0;
	v27 =	vld.idx.msk [tilespmem:v20+s4+$0x0], $0xffff;
	[tilespmem:s16+$0x0] =	vst v17;
	v17 =	vor.u32 $0x380, v3  }
0xf3: {  	v2 =	vor.u32 $0x380, v4;
	v26 =	vor.u32 $0x100, v12;
	v13 =	vor.u32 $0x180, v12;
	v18 =	vld.idx.msk [tilespmem:v18+s4+$0x0], $0xffff  }
0xf4: {  	v9 =	vor.u32 $0x300, v4;
	v4 =	vor.u32 $0x300, v8;
	[tilespmem:s0+$0x200] =	vst v15;
	v25 =	vld.idx.msk [tilespmem:v16+s4+$0x0], $0xffff;
	v16 =	vor.u32 $0x100, v1  }
0xf5: {  	v10 =	vor.u32 $0x200, v12;
	v11 =	vor.u32 $0x200, v8;
	v7 =	vor.u32 $0x280, v8;
	v20 =	vld.idx.msk [tilespmem:v22+s4+$0x0], $0xffff;
	[tilespmem:s17+$0x180] =	vst v14  }
0xf6: {  	v15 =	vand.u32 $0x7F, v21;
	v3 =	vor.u32 $0x380, v8;
	v14 =	vld.idx.msk [tilespmem:v5+s4+$0x0], $0xffff;
	[tilespmem:s11+$0x300] =	vst v6;
	v6 =	vshll.u32 v21, $0x3  }
0xf7: {  	v8 =	vor.u32 $0x280, v12;
	v5 =	vor.u32 $0x300, v12;
	v22 =	vld.idx.msk [tilespmem:v17+s4+$0x0], $0xffff;
	v17 =	vand.u32 $0xFFFFFC00, v6  }
0xf8: {  	v21 =	vshll.u32 v23, $0x3;
	[tilespmem:s5+$0x80] =	vst v18;
	v6 =	vor.u32 $0x380, v12;
	v12 =	vor.u32 v15, v17  }
0xf9: {  	[tilespmem:s1+$0x300] =	vst v19;
	v18 =	vand.u32 $0x7F, v23;
	v19 =	vand.u32 $0xFFFFFC00, v21;
	v23 =	vld.idx.msk [tilespmem:v16+s4+$0x0], $0xffff  }
0xfa: {  	v16 =	vor.u32 v18, v19;
	[tilespmem:s16+$0x80] =	vst v25;
	v19 =	vld.idx.msk [tilespmem:v24+s4+$0x0], $0xffff  }
0xfb: {  	[tilespmem:s17+$0x200] =	vst v14;
	v18 =	vor.u32 $0x80, v16;
	v15 =	vor.u32 $0x100, v16;
	v24 =	vld.idx.msk [tilespmem:v26+s4+$0x0], $0xffff;
	v26 =	vor.u32 $0x180, v1  }
0xfc: {  	s19 =	simm.s32 $0x8;
	s2 =	simm.s32 $0x8;
	[tilespmem:s15+$0x180] =	vst v27;
	v17 =	vor.u32 $0x180, v16;
	v25 =	vor.u32 $0x200, v16;
	v14 =	vor.u32 $0x280, v16;
	v21 =	vld.idx.msk [tilespmem:v63+s4+$0x0], $0xffff  }
.LBB2_5:
0xfd: {  	s2 =	sadd.s32 $0x2, s2;
	v27 =	vor.u32 $0x300, v16;
	v28 =	vor.u32 $0x380, v16;
	v29 =	vld.idx.msk [tilespmem:v12+s4+$0x0], $0xffff;
	[tilespmem:s0+$0x280] =	vst v20  }
0xfe: {  	s7 =	sadd.s32 $0x20, s7;
	v30 =	vor.u32 $0x300, v0;
	s6 =	sshll.u32 s2, $0x4;
	p0 =	slt.u32 s2, $0xC6;
	v20 =	vld.idx.msk [tilespmem:v11+s4+$0x0], $0xffff;
	[tilespmem:s11+$0x380] =	vst v22;
	v11 =	vmov v10;
	v10 =	vmov v25  }
0xff: {  	s8 =	sand.u32 $0x60, s7;
	s11 =	sshll.u32 s19, $0x7;
	v22 =	vor.u32 $0x80, v12;
	s6 =	sand.u32 $0x3FFFFF80, s6;
	v16 =	vld.idx.msk [tilespmem:v16+s4+$0x0], $0xffff;
	[tilespmem:s5+$0x100] =	vst v23  }
0x100: {  	s14 =	sor.u32 $0x10, s8;
	s11 =	sand.u32 $0x3FFFFC00, s11;
	s6 =	sadd.s32 $0x8080, s6;
	v23 =	vld.idx.msk [tilespmem:v26+s4+$0x0], $0xffff;
	[tilespmem:s1+$0x380] =	vst v19  }
0x101: {  	s20 =	sor.u32 s8, s6;
	s1 =	sor.u32 s14, s6;
	s6 =	sadd.s32 $0x11000, s11;
	[tilespmem:s16+$0x100] =	vst v24;
	v19 =	vld.idx.msk [tilespmem:v9+s4+$0x0], $0xffff;
	v9 =	vmov v4;
	v4 =	vmov v5;
	v5 =	vmov v27  }
0x102: {  	v25 =	vor.u32 $0x200, v1;
	s19 =	smov.u32 s2;
	v24 =	vld [tilespmem:s1+$0x0];
	s11 =	sor.u32 s12, s6;
	s6 =	sor.u32 s28, s6;
	[tilespmem:s17+$0x280] =	vst v21  }
0x103: {  	s12 =	smov.u32 s8;
	s28 =	smov.u32 s14;
	s1 =	smov.u32 s0;
	[tilespmem:s6+$0x0] =	vst v29;
	v21 =	vld.idx.msk [tilespmem:v30+s4+$0x0], $0xffff  }
0x104: {  	s0 =	smov.u32 s15;
	v22 =	vld.idx.msk [tilespmem:v22+s4+$0x0], $0xffff;
	[tilespmem:s15+$0x200] =	vst v20;
	s15 =	smov.u32 s16;
	s16 =	smov.u32 s11  }
0x105: {  	s11 =	smov.u32 s17;
	s17 =	smov.u32 s5;
	s5 =	smov.u32 s6;
	v26 =	vld [tilespmem:s20+$0x0];
	[tilespmem:s16+$0x0] =	vst v16;
	v16 =	vor.u32 $0x380, v0;
	v0 =	vmov v1;
	v1 =	vmov v12  }
0x106: {  	v18 =	vld.idx.msk [tilespmem:v18+s4+$0x0], $0xffff;
	v27 =	vor.u32 $0x100, v1;
	[tilespmem:s17+$0x180] =	vst v23  }
0x107: {  	v25 =	vld.idx.msk [tilespmem:v25+s4+$0x0], $0xffff;
	[tilespmem:s1+$0x300] =	vst v19  }
0x108: {  	v12 =	vshll.u32 v24, $0x3;
	v29 =	vld.idx.msk [tilespmem:v13+s4+$0x0], $0xffff;
	v13 =	vmov v17  }
0x109: {  	v30 =	vor.u32 $0x280, v0;
	v17 =	vand.u32 $0x7F, v24;
	v12 =	vand.u32 $0xFFFFFC00, v12;
	v20 =	vld.idx.msk [tilespmem:v7+s4+$0x0], $0xffff;
	[tilespmem:s11+$0x300] =	vst v21;
	v7 =	vmovc v8;
	v8 =	vmovc v14  }
.Ltmp1:
0x10a: {  	v12 =	vor.u32 v17, v12;
	v14 =	vand.u32 $0x7F, v26;
	v19 =	vshll.u32 v26, $0x3;
	[tilespmem:s5+$0x80] =	vst v22;
	v22 =	vld.idx.msk [tilespmem:v16+s4+$0x0], $0xffff;
	(pc) =	sbr.rel @p0 .LBB2_5-.Ltmp1, $4  }
0x10b: {  	v16 =	vand.u32 $0xFFFFFC00, v19;
	v23 =	vld.idx.msk [tilespmem:v27+s4+$0x0], $0xffff  }
0x10c: {  	v16 =	vor.u32 v14, v16;
	[tilespmem:s16+$0x80] =	vst v18;
	v19 =	vld.idx.msk [tilespmem:v2+s4+$0x0], $0xffff;
	v2 =	vmovc v3;
	v3 =	vmov v6;
	v6 =	vmov v28  }
0x10d: {  	v26 =	vor.u32 $0x180, v1;
	v18 =	vor.u32 $0x80, v16;
	v24 =	vld.idx.msk [tilespmem:v15+s4+$0x0], $0xffff;
	v15 =	vor.u32 $0x100, v16;
	[tilespmem:s17+$0x200] =	vst v25  }
0x10e: {  	v17 =	vor.u32 $0x180, v16;
	v25 =	vor.u32 $0x200, v16;
	v14 =	vor.u32 $0x280, v16;
	[tilespmem:s15+$0x180] =	vst v29;
	v21 =	vld.idx.msk [tilespmem:v30+s4+$0x0], $0xffff  }
0x10f: {  	_ =	sdelay $0x3  }
0x110: {  	v27 =	vld.idx.msk [tilespmem:v12+s4+$0x0], $0xffff  }
0x111: {  	s2 =	sshll.u32 s19, $0x7;
	v28 =	vor.u32 $0x80, v12;
	v29 =	vld.idx.msk [tilespmem:v16+s4+$0x0], $0xffff  }
0x112: {  	s2 =	sand.u32 $0x3FFFFC00, s2  }
0x113: {  	s2 =	sadd.s32 $0x11000, s2  }
0x114: {  	s7 =	sor.u32 s28, s2  }
0x115: {  	s2 =	sor.u32 s12, s2;
	[tilespmem:s7+$0x0] =	vst v27  }
0x116: {  	[tilespmem:s2+$0x0] =	vst v29;
	v27 =	vld.idx.msk [tilespmem:v28+s4+$0x0], $0xffff  }
0x117: {  	v62 =	vor.u32 $0x100, v12;
	v18 =	vld.idx.msk [tilespmem:v18+s4+$0x0], $0xffff;
	_ =	sdelay $0x3  }
0x118: {  	[tilespmem:s7+$0x80] =	vst v27  }
0x119: {  	[tilespmem:s2+$0x80] =	vst v18;
	v27 =	vld.idx.msk [tilespmem:v62+s4+$0x0], $0xffff  }
0x11a: {  	[tilespmem:s0+$0x280] =	vst v20;
	v18 =	vor.u32 $0x180, v12;
	v15 =	vld.idx.msk [tilespmem:v15+s4+$0x0], $0xffff  }
0x11b: {  	[tilespmem:s11+$0x380] =	vst v22  }
0x11c: {  	[tilespmem:s16+$0x100] =	vst v24  }
0x11d: {  	[tilespmem:s5+$0x100] =	vst v23;
	v13 =	vld.idx.msk [tilespmem:v13+s4+$0x0], $0xffff  }
0x11e: {  	v20 =	vld.idx.msk [tilespmem:v26+s4+$0x0], $0xffff;
	[tilespmem:s7+$0x100] =	vst v27  }
0x11f: {  	v22 =	vor.u32 $0x200, v1;
	[tilespmem:s2+$0x100] =	vst v15;
	v18 =	vld.idx.msk [tilespmem:v18+s4+$0x0], $0xffff  }
0x120: {  	[tilespmem:s1+$0x380] =	vst v19;
	v15 =	vor.u32 $0x200, v12;
	v17 =	vld.idx.msk [tilespmem:v17+s4+$0x0], $0xffff  }
0x121: {  	v11 =	vld.idx.msk [tilespmem:v11+s4+$0x0], $0xffff;
	[tilespmem:s17+$0x280] =	vst v21  }
0x122: {  	v9 =	vld.idx.msk [tilespmem:v9+s4+$0x0], $0xffff;
	v19 =	vor.u32 $0x300, v0;
	[tilespmem:s16+$0x180] =	vst v13  }
0x123: {  	[tilespmem:s5+$0x180] =	vst v20;
	v10 =	vld.idx.msk [tilespmem:v10+s4+$0x0], $0xffff  }
0x124: {  	v20 =	vld.idx.msk [tilespmem:v22+s4+$0x0], $0xffff;
	[tilespmem:s7+$0x180] =	vst v18  }
0x125: {  	v21 =	vor.u32 $0x280, v1;
	[tilespmem:s2+$0x180] =	vst v17;
	v13 =	vld.idx.msk [tilespmem:v15+s4+$0x0], $0xffff  }
0x126: {  	[tilespmem:s15+$0x200] =	vst v11;
	v15 =	vor.u32 $0x280, v12;
	v11 =	vld.idx.msk [tilespmem:v25+s4+$0x0], $0xffff  }
0x127: {  	[tilespmem:s0+$0x300] =	vst v9;
	v17 =	vld.idx.msk [tilespmem:v19+s4+$0x0], $0xffff  }
0x128: {  	v0 =	vor.u32 $0x380, v0;
	v7 =	vld.idx.msk [tilespmem:v7+s4+$0x0], $0xffff;
	[tilespmem:s16+$0x200] =	vst v10  }
0x129: {  	[tilespmem:s5+$0x200] =	vst v20;
	v8 =	vld.idx.msk [tilespmem:v8+s4+$0x0], $0xffff  }
0x12a: {  	v9 =	vld.idx.msk [tilespmem:v21+s4+$0x0], $0xffff;
	[tilespmem:s7+$0x200] =	vst v13  }
0x12b: {  	v18 =	vor.u32 $0x300, v1;
	[tilespmem:s2+$0x200] =	vst v11;
	v10 =	vld.idx.msk [tilespmem:v15+s4+$0x0], $0xffff  }
0x12c: {  	[tilespmem:s17+$0x300] =	vst v17;
	v13 =	vor.u32 $0x300, v12;
	v11 =	vld.idx.msk [tilespmem:v14+s4+$0x0], $0xffff  }
0x12d: {  	[tilespmem:s15+$0x280] =	vst v7;
	v0 =	vld.idx.msk [tilespmem:v0+s4+$0x0], $0xffff;
	v14 =	vor.u32 $0x300, v16  }
0x12e: {  	v4 =	vld.idx.msk [tilespmem:v4+s4+$0x0], $0xffff;
	[tilespmem:s16+$0x280] =	vst v8  }
0x12f: {  	[tilespmem:s5+$0x280] =	vst v9;
	v5 =	vld.idx.msk [tilespmem:v5+s4+$0x0], $0xffff  }
0x130: {  	v7 =	vld.idx.msk [tilespmem:v18+s4+$0x0], $0xffff;
	[tilespmem:s7+$0x280] =	vst v10  }
0x131: {  	v1 =	vor.u32 $0x380, v1;
	[tilespmem:s2+$0x280] =	vst v11;
	v8 =	vld.idx.msk [tilespmem:v13+s4+$0x0], $0xffff  }
0x132: {  	v9 =	vor.u32 $0x380, v12;
	[tilespmem:s17+$0x380] =	vst v0;
	v0 =	vld.idx.msk [tilespmem:v14+s4+$0x0], $0xffff  }
0x133: {  	v2 =	vld.idx.msk [tilespmem:v2+s4+$0x0], $0xffff;
	[tilespmem:s15+$0x300] =	vst v4;
	v10 =	vor.u32 $0x380, v16  }
0x134: {  	v3 =	vld.idx.msk [tilespmem:v3+s4+$0x0], $0xffff;
	[tilespmem:s16+$0x300] =	vst v5  }
0x135: {  	v5 =	vld.idx.msk [tilespmem:v6+s4+$0x0], $0xffff;
	[tilespmem:s5+$0x300] =	vst v7  }
0x136: {  	v1 =	vld.idx.msk [tilespmem:v1+s4+$0x0], $0xffff;
	[tilespmem:s7+$0x300] =	vst v8  }
0x137: {  	[tilespmem:s2+$0x300] =	vst v0;
	v4 =	vld.idx.msk [tilespmem:v9+s4+$0x0], $0xffff  }
0x138: {  	[tilespmem:s0+$0x380] =	vst v2;
	v0 =	vld.idx.msk [tilespmem:v10+s4+$0x0], $0xffff  }
0x139: {  	[tilespmem:s15+$0x380] =	vst v3  }
0x13a: {  	[tilespmem:s16+$0x380] =	vst v5  }
0x13b: {  	[tilespmem:s5+$0x380] =	vst v1  }
0x13c: {  	s17 =	sor.u32 $0x320000, s31;
	[tilespmem:s7+$0x380] =	vst v4  }
0x13d: {  	p0 =	seq.s32 s30, $0xF;
	s19 =	simm.s32 $0x0;
	s0 =	sadd.s32 s3, s17;
	[tilespmem:s2+$0x380] =	vst v0  }
0x13e: {  	[hbm4b:s0+s13] =	stream.strided.scatter [tilespmem:s23], [sflag:$0x4], $0x6400, s21, s13, $0x38;
	[tilespmem:$0x17400] =	vst v63  }
0x13f: {  	s20 =	simm.s32 $0x0;
	s1 =	simm.s32 @!p0 $0x400;
	_ =	swait.ge [sflag:s24], $0x1900  }
0x140: {  	s5 =	simm.s32 @!p0 $0x7400;
	s0 =	sshll.u32 @!p0 s30, $0x8;
	[sflag:s24] =	ssyncset.done $0x0  }
0x141: {  	s2 =	simm.s32 @!p0 $0x20000;
	s0 =	sadd.s32 @!p0 s0, s10;
	[sflag:s24] =	ssyncadd.s32 $0xFFFFE700  }
0x142: {  	[tilespmem:s5], [sflag:$0x1] =	stream.strided.gather @!p0 [hbm4b:s0+s1], $0x1800, s2, s1, $0x38;
	[tilespmem:$0x17400] =	vst v63  }
0x143: {  	s0 =	sadd.s32 @!p0 $0x18000, s0;
	s1 =	simm.s32 @!p0 $0x0;
	s2 =	simm.s32 @!p0 $0x8C00  }
0x144: {  	[tilespmem:s2], [sflag:$0x1] =	stream.linear.gather @!p0 [hbm4b:s0+s1], $0x100, $0x38;
	[tilespmem:$0x17400] =	vst v63  }
0x145: {  	s0 =	sand.u32 $0x60, s19;
	s1 =	sand.u32 $0x3FFFFF80, s20;
	_ =	swait.ge [sflag:s25], $0x6400  }
0x146: {  	s1 =	sadd.s32 $0x9000, s1;
	s28 =	sor.u32 $0x10, s0;
	[sflag:s25] =	ssyncset.done $0x0  }
0x147: {  	s8 =	sor.u32 s28, s1;
	[sflag:s25] =	ssyncadd.s32 $0xFFFF9C00  }
0x148: {  	v0 =	vld [tilespmem:s8+$0x0];
	_ =	sdelay $0x4  }
0x149: {  	v1 =	vshll.u32 v0, $0x3  }
0x14a: {  	v0 =	vand.u32 $0x7F, v0;
	v1 =	vand.u32 $0xFFFFFC00, v1  }
0x14b: {  	s1 =	sor.u32 s0, s1;
	v1 =	vor.u32 v0, v1  }
0x14c: {  	v0 =	vld [tilespmem:s1+$0x0];
	_ =	sdelay $0x3  }
0x14d: {  	s11 =	simm.s32 $0x20;
	s12 =	simm.s32 $0x20;
	v3 =	vld.idx.msk [tilespmem:v1+s4+$0x0], $0xffff  }
0x14e: {  	s14 =	simm.s32 $0x0;
	s6 =	sand.u32 $0x60, s12;
	s1 =	sand.u32 $0x3FFFFF80, s11;
	v4 =	vor.u32 $0x80, v1;
	v2 =	vshll.u32 v0, $0x3  }
0x14f: {  	s5 =	sand.u32 $0x3FFFFC00, s14;
	s8 =	sor.u32 $0x10, s6;
	s1 =	sadd.s32 $0x9000, s1;
	v0 =	vand.u32 $0x7F, v0;
	v2 =	vand.u32 $0xFFFFFC00, v2  }
0x150: {  	s5 =	sadd.s32 $0xAC00, s5;
	s15 =	sor.u32 s8, s1;
	v2 =	vor.u32 v0, v2  }
0x151: {  	s11 =	sor.u32 s28, s5;
	s1 =	sor.u32 s6, s1;
	v0 =	vld [tilespmem:s15+$0x0]  }
0x152: {  	[tilespmem:s11+$0x0] =	vst v3;
	v3 =	vld [tilespmem:s1+$0x0]  }
0x153: {  	v4 =	vld.idx.msk [tilespmem:v4+s4+$0x0], $0xffff  }
0x154: {  	v5 =	vor.u32 $0x100, v1  }
0x155: {  	v6 =	vld.idx.msk [tilespmem:v2+s4+$0x0], $0xffff  }
0x156: {  	v7 =	vor.u32 $0x80, v2;
	v8 =	vshll.u32 v0, $0x3  }
0x157: {  	v0 =	vand.u32 $0x7F, v0;
	v8 =	vand.u32 $0xFFFFFC00, v8;
	v9 =	vshll.u32 v3, $0x3  }
0x158: {  	v10 =	vand.u32 $0x7F, v3;
	v3 =	vor.u32 v0, v8;
	[tilespmem:s11+$0x80] =	vst v4;
	v0 =	vand.u32 $0xFFFFFC00, v9  }
0x159: {  	s0 =	sor.u32 s0, s5;
	v5 =	vld.idx.msk [tilespmem:v5+s4+$0x0], $0xffff;
	v4 =	vor.u32 v10, v0  }
0x15a: {  	[tilespmem:s0+$0x0] =	vst v6;
	v0 =	vor.u32 $0x180, v1  }
0x15b: {  	v6 =	vld.idx.msk [tilespmem:v7+s4+$0x0], $0xffff  }
0x15c: {  	s16 =	simm.s32 $0x40;
	s17 =	simm.s32 $0x40;
	v7 =	vor.u32 $0x100, v2  }
0x15d: {  	s2 =	sand.u32 $0x3FFFFF80, s16;
	s1 =	sand.u32 $0x60, s17;
	v8 =	vld.idx.msk [tilespmem:v3+s4+$0x0], $0xffff  }
0x15e: {  	s19 =	simm.s32 $0x100;
	s2 =	sadd.s32 $0x9000, s2;
	s20 =	sor.u32 $0x10, s1;
	v10 =	vor.u32 $0x80, v3;
	v9 =	vld.idx.msk [tilespmem:v4+s4+$0x0], $0xffff;
	[tilespmem:s11+$0x100] =	vst v5  }
0x15f: {  	s5 =	sand.u32 $0x3FFFFC00, s19;
	s28 =	sor.u32 s20, s2;
	v0 =	vld.idx.msk [tilespmem:v0+s4+$0x0], $0xffff  }
0x160: {  	s14 =	sadd.s32 $0xAC00, s5;
	v11 =	vor.u32 $0x200, v1;
	[tilespmem:s0+$0x80] =	vst v6;
	v6 =	vld [tilespmem:s28+$0x0]  }
0x161: {  	s5 =	sor.u32 s8, s14;
	s2 =	sor.u32 s1, s2;
	v7 =	vld.idx.msk [tilespmem:v7+s4+$0x0], $0xffff  }
0x162: {  	v5 =	vor.u32 $0x80, v4;
	[tilespmem:s5+$0x0] =	vst v8;
	v8 =	vld [tilespmem:s2+$0x0]  }
0x163: {  	v12 =	vor.u32 $0x180, v2;
	v10 =	vld.idx.msk [tilespmem:v10+s4+$0x0], $0xffff  }
0x164: {  	s31 =	sor.u32 s6, s14;
	[tilespmem:s11+$0x180] =	vst v0  }
0x165: {  	s12 =	simm.s32 $0x60;
	s14 =	simm.s32 $0x60;
	[tilespmem:s31+$0x0] =	vst v9;
	v9 =	vor.u32 $0x100, v3;
	v0 =	vshll.u32 v6, $0x3;
	v11 =	vld.idx.msk [tilespmem:v11+s4+$0x0], $0xffff  }
0x166: {  	s6 =	sand.u32 $0x3FFFFF80, s12;
	s2 =	sand.u32 $0x60, s14;
	v6 =	vand.u32 $0x7F, v6;
	[tilespmem:s0+$0x100] =	vst v7;
	v0 =	vand.u32 $0xFFFFFC00, v0;
	v7 =	vor.u32 $0x280, v1  }
0x167: {  	s6 =	sadd.s32 $0x9000, s6;
	s17 =	sor.u32 $0x10, s2;
	v5 =	vld.idx.msk [tilespmem:v5+s4+$0x0], $0xffff;
	v14 =	vshll.u32 v8, $0x3;
	v0 =	vor.u32 v6, v0  }
0x168: {  	v13 =	vor.u32 $0x100, v4;
	s16 =	sor.u32 s17, s6;
	v12 =	vld.idx.msk [tilespmem:v12+s4+$0x0], $0xffff;
	v8 =	vand.u32 $0x7F, v8;
	[tilespmem:s5+$0x80] =	vst v10;
	v10 =	vand.u32 $0xFFFFFC00, v14  }
0x169: {  	v15 =	vld [tilespmem:s16+$0x0];
	v8 =	vor.u32 v8, v10  }
0x16a: {  	v6 =	vor.u32 $0x200, v2;
	v9 =	vld.idx.msk [tilespmem:v9+s4+$0x0], $0xffff;
	[tilespmem:s11+$0x200] =	vst v11  }
0x16b: {  	v10 =	vor.u32 $0x180, v3;
	v7 =	vld.idx.msk [tilespmem:v7+s4+$0x0], $0xffff  }
0x16c: {  	[tilespmem:s31+$0x80] =	vst v5;
	v11 =	vld.idx.msk [tilespmem:v0+s4+$0x0], $0xffff  }
0x16d: {  	s15 =	simm.s32 $0x200;
	v5 =	vld.idx.msk [tilespmem:v13+s4+$0x0], $0xffff;
	[tilespmem:s0+$0x180] =	vst v12;
	v12 =	vor.u32 $0x300, v1  }
0x16e: {  	s8 =	sand.u32 $0x3FFFFC00, s15;
	v14 =	vor.u32 $0x80, v0;
	v13 =	vld.idx.msk [tilespmem:v8+s4+$0x0], $0xffff  }
0x16f: {  	s8 =	sadd.s32 $0xAC00, s8;
	v6 =	vld.idx.msk [tilespmem:v6+s4+$0x0], $0xffff;
	[tilespmem:s5+$0x100] =	vst v9;
	v9 =	vor.u32 $0x80, v8  }
0x170: {  	s15 =	sor.u32 s20, s8;
	s6 =	sor.u32 s2, s6;
	v10 =	vld.idx.msk [tilespmem:v10+s4+$0x0], $0xffff;
	[tilespmem:s11+$0x280] =	vst v7  }
0x171: {  	s19 =	simm.s32 $0x80;
	v16 =	vor.u32 $0x200, v3;
	s16 =	simm.s32 $0x80;
	[tilespmem:s15+$0x0] =	vst v11;
	v11 =	vld [tilespmem:s6+$0x0]  }
0x172: {  	s1 =	sor.u32 s1, s8;
	s7 =	sand.u32 $0x60, s16;
	v7 =	vor.u32 $0x180, v4;
	s6 =	sand.u32 $0x3FFFFF80, s19;
	v12 =	vld.idx.msk [tilespmem:v12+s4+$0x0], $0xffff  }
0x173: {  	v17 =	vor.u32 $0x280, v2;
	s12 =	sor.u32 $0x10, s7;
	v14 =	vld.idx.msk [tilespmem:v14+s4+$0x0], $0xffff;
	s6 =	sadd.s32 $0x9000, s6;
	[tilespmem:s1+$0x0] =	vst v13  }
0x174: {  	v13 =	vor.u32 $0x380, v1;
	s28 =	sor.u32 s12, s6;
	v9 =	vld.idx.msk [tilespmem:v9+s4+$0x0], $0xffff  }
0x175: {  	v18 =	vor.u32 $0x100, v0;
	[tilespmem:s5+$0x180] =	vst v10;
	v21 =	vld [tilespmem:s28+$0x0]  }
0x176: {  	[tilespmem:s31+$0x100] =	vst v5;
	v1 =	vshll.u32 v15, $0x3;
	v10 =	vor.u32 $0x100, v8;
	v5 =	vld.idx.msk [tilespmem:v16+s4+$0x0], $0xffff  }
0x177: {  	[tilespmem:s0+$0x200] =	vst v6;
	v1 =	vand.u32 $0xFFFFFC00, v1;
	v6 =	vld.idx.msk [tilespmem:v7+s4+$0x0], $0xffff;
	v7 =	vand.u32 $0x7F, v15;
	v15 =	vor.u32 $0x280, v3  }
0x178: {  	v16 =	vld.idx.msk [tilespmem:v17+s4+$0x0], $0xffff;
	[tilespmem:s11+$0x300] =	vst v12;
	v12 =	vshll.u32 v11, $0x3;
	v1 =	vor.u32 v7, v1  }
0x179: {  	v7 =	vor.u32 $0x200, v4;
	v11 =	vand.u32 $0x7F, v11;
	[tilespmem:s15+$0x80] =	vst v14;
	v13 =	vld.idx.msk [tilespmem:v13+s4+$0x0], $0xffff;
	v12 =	vand.u32 $0xFFFFFC00, v12  }
0x17a: {  	v14 =	vld.idx.msk [tilespmem:v18+s4+$0x0], $0xffff;
	v12 =	vor.u32 v11, v12;
	[tilespmem:s1+$0x80] =	vst v9  }
0x17b: {  	v10 =	vld.idx.msk [tilespmem:v10+s4+$0x0], $0xffff;
	[tilespmem:s5+$0x200] =	vst v5  }
0x17c: {  	v9 =	vor.u32 $0x180, v0;
	v11 =	vld.idx.msk [tilespmem:v15+s4+$0x0], $0xffff  }
0x17d: {  	v5 =	vor.u32 $0x300, v2;
	[tilespmem:s31+$0x180] =	vst v6;
	v6 =	vld.idx.msk [tilespmem:v1+s4+$0x0], $0xffff  }
0x17e: {  	[tilespmem:s0+$0x280] =	vst v16;
	v15 =	vld.idx.msk [tilespmem:v7+s4+$0x0], $0xffff;
	v7 =	vor.u32 $0x300, v3  }
0x17f: {  	s20 =	simm.s32 $0x300;
	v20 =	vor.u32 $0x180, v8;
	s6 =	sor.u32 s7, s6;
	[tilespmem:s15+$0x100] =	vst v14;
	v17 =	vld.idx.msk [tilespmem:v12+s4+$0x0], $0xffff  }
0x180: {  	s8 =	sand.u32 $0x3FFFFC00, s20;
	v24 =	vld [tilespmem:s6+$0x0];
	v18 =	vor.u32 $0x80, v1;
	[tilespmem:s11+$0x380] =	vst v13  }
0x181: {  	s8 =	sadd.s32 $0xAC00, s8;
	v16 =	vor.u32 $0x80, v12;
	v14 =	vld.idx.msk [tilespmem:v9+s4+$0x0], $0xffff;
	[tilespmem:s1+$0x100] =	vst v10  }
0x182: {  	v22 =	vor.u32 $0x280, v4;
	s17 =	sor.u32 s17, s8;
	v19 =	vld.idx.msk [tilespmem:v5+s4+$0x0], $0xffff;
	[tilespmem:s5+$0x280] =	vst v11  }
0x183: {  	s11 =	sor.u32 s2, s8;
	v5 =	vor.u32 $0x200, v0;
	[tilespmem:s17+$0x0] =	vst v6;
	v6 =	vld.idx.msk [tilespmem:v7+s4+$0x0], $0xffff  }
0x184: {  	v23 =	vor.u32 $0x380, v2;
	v63 =	vor.u32 $0x280, v0;
	v27 =	vld.idx.msk [tilespmem:v20+s4+$0x0], $0xffff;
	[tilespmem:s11+$0x0] =	vst v17;
	v17 =	vor.u32 $0x380, v3  }
0x185: {  	v2 =	vor.u32 $0x380, v4;
	v26 =	vor.u32 $0x100, v12;
	v13 =	vor.u32 $0x180, v12;
	v18 =	vld.idx.msk [tilespmem:v18+s4+$0x0], $0xffff  }
0x186: {  	v9 =	vor.u32 $0x300, v4;
	v4 =	vor.u32 $0x300, v8;
	[tilespmem:s31+$0x200] =	vst v15;
	v25 =	vld.idx.msk [tilespmem:v16+s4+$0x0], $0xffff;
	v16 =	vor.u32 $0x100, v1  }
0x187: {  	v10 =	vor.u32 $0x200, v12;
	v11 =	vor.u32 $0x200, v8;
	v7 =	vor.u32 $0x280, v8;
	v20 =	vld.idx.msk [tilespmem:v22+s4+$0x0], $0xffff;
	[tilespmem:s15+$0x180] =	vst v14  }
0x188: {  	v15 =	vand.u32 $0x7F, v21;
	v22 =	vshll.u32 v24, $0x3;
	v14 =	vld.idx.msk [tilespmem:v5+s4+$0x0], $0xffff;
	[tilespmem:s5+$0x300] =	vst v6;
	v6 =	vshll.u32 v21, $0x3  }
0x189: {  	v3 =	vor.u32 $0x380, v8;
	v8 =	vor.u32 $0x280, v12;
	v21 =	vld.idx.msk [tilespmem:v17+s4+$0x0], $0xffff;
	v17 =	vand.u32 $0xFFFFFC00, v6  }
0x18a: {  	v5 =	vor.u32 $0x300, v12;
	[tilespmem:s17+$0x80] =	vst v18;
	v6 =	vor.u32 $0x380, v12;
	v12 =	vor.u32 v15, v17  }
0x18b: {  	[tilespmem:s0+$0x300] =	vst v19;
	v19 =	vand.u32 $0xFFFFFC00, v22;
	v18 =	vand.u32 $0x7F, v24;
	v22 =	vld.idx.msk [tilespmem:v16+s4+$0x0], $0xffff  }
0x18c: {  	v16 =	vor.u32 v18, v19;
	[tilespmem:s11+$0x80] =	vst v25;
	v19 =	vld.idx.msk [tilespmem:v23+s4+$0x0], $0xffff  }
0x18d: {  	[tilespmem:s15+$0x200] =	vst v14;
	v18 =	vor.u32 $0x80, v16;
	v15 =	vor.u32 $0x100, v16;
	v24 =	vld.idx.msk [tilespmem:v26+s4+$0x0], $0xffff;
	v26 =	vor.u32 $0x180, v1  }
0x18e: {  	s30 =	sadd.s32 $0x1, s30;
	s19 =	simm.s32 $0x8;
	s2 =	simm.s32 $0x8;
	[tilespmem:s1+$0x180] =	vst v27;
	v17 =	vor.u32 $0x180, v16;
	v25 =	vor.u32 $0x200, v16;
	v14 =	vor.u32 $0x280, v16;
	v23 =	vld.idx.msk [tilespmem:v63+s4+$0x0], $0xffff  }
.LBB2_7:
0x18f: {  	s2 =	sadd.s32 $0x2, s2;
	v27 =	vor.u32 $0x300, v16;
	v28 =	vor.u32 $0x380, v16;
	v29 =	vld.idx.msk [tilespmem:v12+s4+$0x0], $0xffff;
	[tilespmem:s31+$0x280] =	vst v20  }
0x190: {  	s16 =	sadd.s32 $0x20, s16;
	v30 =	vor.u32 $0x300, v0;
	s6 =	sshll.u32 s2, $0x4;
	p0 =	slt.u32 s2, $0xC6;
	v20 =	vld.idx.msk [tilespmem:v11+s4+$0x0], $0xffff;
	[tilespmem:s5+$0x380] =	vst v21;
	v11 =	vmov v10;
	v10 =	vmov v25  }
0x191: {  	s8 =	sshll.u32 s19, $0x7;
	s5 =	sand.u32 $0x60, s16;
	v21 =	vor.u32 $0x80, v12;
	s6 =	sand.u32 $0x3FFFFF80, s6;
	v16 =	vld.idx.msk [tilespmem:v16+s4+$0x0], $0xffff;
	[tilespmem:s17+$0x100] =	vst v22  }
0x192: {  	s8 =	sand.u32 $0x3FFFFC00, s8;
	s14 =	sor.u32 $0x10, s5;
	s6 =	sadd.s32 $0x9000, s6;
	v22 =	vld.idx.msk [tilespmem:v26+s4+$0x0], $0xffff;
	[tilespmem:s0+$0x380] =	vst v19  }
0x193: {  	s20 =	sor.u32 s5, s6;
	s0 =	sor.u32 s14, s6;
	s6 =	sadd.s32 $0xAC00, s8;
	[tilespmem:s11+$0x100] =	vst v24;
	v19 =	vld.idx.msk [tilespmem:v9+s4+$0x0], $0xffff;
	v9 =	vmov v4;
	v4 =	vmov v5;
	v5 =	vmov v27  }
0x194: {  	v25 =	vor.u32 $0x200, v1;
	s19 =	smov.u32 s2;
	v24 =	vld [tilespmem:s0+$0x0];
	s8 =	sor.u32 s7, s6;
	s6 =	sor.u32 s12, s6;
	[tilespmem:s15+$0x280] =	vst v23  }
0x195: {  	s7 =	smov.u32 s5;
	s12 =	smov.u32 s14;
	s0 =	smov.u32 s31;
	[tilespmem:s6+$0x0] =	vst v29;
	v23 =	vld.idx.msk [tilespmem:v30+s4+$0x0], $0xffff  }
0x196: {  	s31 =	smov.u32 s1;
	v21 =	vld.idx.msk [tilespmem:v21+s4+$0x0], $0xffff;
	[tilespmem:s1+$0x200] =	vst v20;
	s1 =	smov.u32 s11;
	s11 =	smov.u32 s8  }
0x197: {  	s5 =	smov.u32 s15;
	s15 =	smov.u32 s17;
	s17 =	smov.u32 s6;
	v26 =	vld [tilespmem:s20+$0x0];
	[tilespmem:s11+$0x0] =	vst v16;
	v16 =	vor.u32 $0x380, v0;
	v0 =	vmov v1;
	v1 =	vmov v12  }
0x198: {  	v18 =	vld.idx.msk [tilespmem:v18+s4+$0x0], $0xffff;
	v27 =	vor.u32 $0x100, v1;
	[tilespmem:s15+$0x180] =	vst v22  }
0x199: {  	v25 =	vld.idx.msk [tilespmem:v25+s4+$0x0], $0xffff;
	[tilespmem:s0+$0x300] =	vst v19  }
0x19a: {  	v12 =	vshll.u32 v24, $0x3;
	v29 =	vld.idx.msk [tilespmem:v13+s4+$0x0], $0xffff;
	v13 =	vmov v17  }
0x19b: {  	v30 =	vor.u32 $0x280, v0;
	v17 =	vand.u32 $0x7F, v24;
	v12 =	vand.u32 $0xFFFFFC00, v12;
	v20 =	vld.idx.msk [tilespmem:v7+s4+$0x0], $0xffff;
	[tilespmem:s5+$0x300] =	vst v23;
	v7 =	vmovc v8;
	v8 =	vmovc v14  }
.Ltmp2:
0x19c: {  	v12 =	vor.u32 v17, v12;
	v14 =	vand.u32 $0x7F, v26;
	v19 =	vshll.u32 v26, $0x3;
	[tilespmem:s17+$0x80] =	vst v21;
	v21 =	vld.idx.msk [tilespmem:v16+s4+$0x0], $0xffff;
	(pc) =	sbr.rel @p0 .LBB2_7-.Ltmp2, $4  }
0x19d: {  	v16 =	vand.u32 $0xFFFFFC00, v19;
	v22 =	vld.idx.msk [tilespmem:v27+s4+$0x0], $0xffff  }
0x19e: {  	v16 =	vor.u32 v14, v16;
	[tilespmem:s11+$0x80] =	vst v18;
	v19 =	vld.idx.msk [tilespmem:v2+s4+$0x0], $0xffff;
	v2 =	vmovc v3;
	v3 =	vmov v6;
	v6 =	vmov v28  }
0x19f: {  	v26 =	vor.u32 $0x180, v1;
	v18 =	vor.u32 $0x80, v16;
	v24 =	vld.idx.msk [tilespmem:v15+s4+$0x0], $0xffff;
	v15 =	vor.u32 $0x100, v16;
	[tilespmem:s15+$0x200] =	vst v25  }
0x1a0: {  	v17 =	vor.u32 $0x180, v16;
	v25 =	vor.u32 $0x200, v16;
	v14 =	vor.u32 $0x280, v16;
	[tilespmem:s1+$0x180] =	vst v29;
	v23 =	vld.idx.msk [tilespmem:v30+s4+$0x0], $0xffff  }
0x1a1: {  	_ =	sdelay $0x3  }
0x1a2: {  	v27 =	vld.idx.msk [tilespmem:v12+s4+$0x0], $0xffff  }
0x1a3: {  	s2 =	sshll.u32 s19, $0x7;
	v28 =	vor.u32 $0x80, v12;
	v29 =	vld.idx.msk [tilespmem:v16+s4+$0x0], $0xffff  }
0x1a4: {  	s2 =	sand.u32 $0x3FFFFC00, s2  }
0x1a5: {  	s2 =	sadd.s32 $0xAC00, s2  }
0x1a6: {  	s12 =	sor.u32 s12, s2  }
0x1a7: {  	s2 =	sor.u32 s7, s2;
	[tilespmem:s12+$0x0] =	vst v27  }
0x1a8: {  	[tilespmem:s2+$0x0] =	vst v29;
	v27 =	vld.idx.msk [tilespmem:v28+s4+$0x0], $0xffff  }
0x1a9: {  	v62 =	vor.u32 $0x100, v12;
	v18 =	vld.idx.msk [tilespmem:v18+s4+$0x0], $0xffff;
	_ =	sdelay $0x3  }
0x1aa: {  	[tilespmem:s12+$0x80] =	vst v27  }
0x1ab: {  	[tilespmem:s2+$0x80] =	vst v18;
	v27 =	vld.idx.msk [tilespmem:v62+s4+$0x0], $0xffff  }
0x1ac: {  	[tilespmem:s31+$0x280] =	vst v20;
	v18 =	vor.u32 $0x180, v12;
	v15 =	vld.idx.msk [tilespmem:v15+s4+$0x0], $0xffff  }
0x1ad: {  	[tilespmem:s5+$0x380] =	vst v21  }
0x1ae: {  	[tilespmem:s11+$0x100] =	vst v24  }
0x1af: {  	[tilespmem:s17+$0x100] =	vst v22;
	v13 =	vld.idx.msk [tilespmem:v13+s4+$0x0], $0xffff  }
0x1b0: {  	v20 =	vld.idx.msk [tilespmem:v26+s4+$0x0], $0xffff;
	[tilespmem:s12+$0x100] =	vst v27  }
0x1b1: {  	v21 =	vor.u32 $0x200, v1;
	[tilespmem:s2+$0x100] =	vst v15;
	v18 =	vld.idx.msk [tilespmem:v18+s4+$0x0], $0xffff  }
0x1b2: {  	[tilespmem:s0+$0x380] =	vst v19;
	v15 =	vor.u32 $0x200, v12;
	v17 =	vld.idx.msk [tilespmem:v17+s4+$0x0], $0xffff  }
0x1b3: {  	v11 =	vld.idx.msk [tilespmem:v11+s4+$0x0], $0xffff;
	[tilespmem:s15+$0x280] =	vst v23  }
0x1b4: {  	v9 =	vld.idx.msk [tilespmem:v9+s4+$0x0], $0xffff;
	v19 =	vor.u32 $0x300, v0;
	[tilespmem:s11+$0x180] =	vst v13  }
0x1b5: {  	[tilespmem:s17+$0x180] =	vst v20;
	v10 =	vld.idx.msk [tilespmem:v10+s4+$0x0], $0xffff  }
0x1b6: {  	v20 =	vld.idx.msk [tilespmem:v21+s4+$0x0], $0xffff;
	[tilespmem:s12+$0x180] =	vst v18  }
0x1b7: {  	v21 =	vor.u32 $0x280, v1;
	[tilespmem:s2+$0x180] =	vst v17;
	v13 =	vld.idx.msk [tilespmem:v15+s4+$0x0], $0xffff  }
0x1b8: {  	[tilespmem:s1+$0x200] =	vst v11;
	v15 =	vor.u32 $0x280, v12;
	v11 =	vld.idx.msk [tilespmem:v25+s4+$0x0], $0xffff  }
0x1b9: {  	[tilespmem:s31+$0x300] =	vst v9;
	v17 =	vld.idx.msk [tilespmem:v19+s4+$0x0], $0xffff  }
0x1ba: {  	v0 =	vor.u32 $0x380, v0;
	v7 =	vld.idx.msk [tilespmem:v7+s4+$0x0], $0xffff;
	[tilespmem:s11+$0x200] =	vst v10  }
0x1bb: {  	[tilespmem:s17+$0x200] =	vst v20;
	v8 =	vld.idx.msk [tilespmem:v8+s4+$0x0], $0xffff  }
0x1bc: {  	v9 =	vld.idx.msk [tilespmem:v21+s4+$0x0], $0xffff;
	[tilespmem:s12+$0x200] =	vst v13  }
0x1bd: {  	v18 =	vor.u32 $0x300, v1;
	[tilespmem:s2+$0x200] =	vst v11;
	v10 =	vld.idx.msk [tilespmem:v15+s4+$0x0], $0xffff  }
0x1be: {  	[tilespmem:s15+$0x300] =	vst v17;
	v13 =	vor.u32 $0x300, v12;
	v11 =	vld.idx.msk [tilespmem:v14+s4+$0x0], $0xffff  }
0x1bf: {  	[tilespmem:s1+$0x280] =	vst v7;
	v0 =	vld.idx.msk [tilespmem:v0+s4+$0x0], $0xffff;
	v14 =	vor.u32 $0x300, v16  }
0x1c0: {  	v4 =	vld.idx.msk [tilespmem:v4+s4+$0x0], $0xffff;
	[tilespmem:s11+$0x280] =	vst v8  }
0x1c1: {  	[tilespmem:s17+$0x280] =	vst v9;
	v5 =	vld.idx.msk [tilespmem:v5+s4+$0x0], $0xffff  }
0x1c2: {  	v7 =	vld.idx.msk [tilespmem:v18+s4+$0x0], $0xffff;
	[tilespmem:s12+$0x280] =	vst v10  }
0x1c3: {  	v1 =	vor.u32 $0x380, v1;
	[tilespmem:s2+$0x280] =	vst v11;
	v8 =	vld.idx.msk [tilespmem:v13+s4+$0x0], $0xffff  }
0x1c4: {  	v9 =	vor.u32 $0x380, v12;
	[tilespmem:s15+$0x380] =	vst v0;
	v0 =	vld.idx.msk [tilespmem:v14+s4+$0x0], $0xffff  }
0x1c5: {  	v2 =	vld.idx.msk [tilespmem:v2+s4+$0x0], $0xffff;
	[tilespmem:s1+$0x300] =	vst v4;
	v10 =	vor.u32 $0x380, v16  }
0x1c6: {  	v3 =	vld.idx.msk [tilespmem:v3+s4+$0x0], $0xffff;
	[tilespmem:s11+$0x300] =	vst v5  }
0x1c7: {  	v5 =	vld.idx.msk [tilespmem:v6+s4+$0x0], $0xffff;
	[tilespmem:s17+$0x300] =	vst v7  }
0x1c8: {  	v1 =	vld.idx.msk [tilespmem:v1+s4+$0x0], $0xffff;
	[tilespmem:s12+$0x300] =	vst v8  }
0x1c9: {  	[tilespmem:s2+$0x300] =	vst v0;
	v4 =	vld.idx.msk [tilespmem:v9+s4+$0x0], $0xffff  }
0x1ca: {  	[tilespmem:s31+$0x380] =	vst v2;
	v0 =	vld.idx.msk [tilespmem:v10+s4+$0x0], $0xffff  }
0x1cb: {  	[tilespmem:s1+$0x380] =	vst v3  }
0x1cc: {  	[tilespmem:s11+$0x380] =	vst v5  }
0x1cd: {  	s8 =	sor.u32 s9, s29;
	[tilespmem:s17+$0x380] =	vst v1  }
0x1ce: {  	s29 =	sshrl.u32 s8, $0x3;
	[tilespmem:s12+$0x380] =	vst v4  }
0x1cf: {  	s14 =	simm.s32 $0x0;
	s0 =	sadd.s32 s3, s29;
	[tilespmem:s2+$0x380] =	vst v0;
	s12 =	simm.s32 $0x0  }
0x1d0: {  	[hbm4b:s0+s13] =	stream.strided.scatter [tilespmem:s22], [sflag:$0x3], $0x6400, s21, s13, $0x38;
	[tilespmem:$0x17400] =	vst v63  }
0x1d1: {  	s1 =	sand.u32 $0x3FFFFF80, s14;
	s0 =	sand.u32 $0x60, s12;
	_ =	swait.ge [sflag:s26], $0x6400  }
0x1d2: {  	s1 =	sadd.s32 $0x9C80, s1;
	s15 =	sor.u32 $0x10, s0;
	[sflag:s26] =	ssyncset.done $0x0  }
0x1d3: {  	s16 =	sor.u32 s15, s1;
	[sflag:s26] =	ssyncadd.s32 $0xFFFF9C00  }
0x1d4: {  	v0 =	vld [tilespmem:s16+$0x0];
	_ =	sdelay $0x4  }
0x1d5: {  	v1 =	vshll.u32 v0, $0x3  }
0x1d6: {  	v0 =	vand.u32 $0x7F, v0;
	v1 =	vand.u32 $0xFFFFFC00, v1  }
0x1d7: {  	s1 =	sor.u32 s0, s1;
	v1 =	vor.u32 v0, v1  }
0x1d8: {  	v0 =	vld [tilespmem:s1+$0x0];
	_ =	sdelay $0x3  }
0x1d9: {  	s19 =	simm.s32 $0x20;
	s17 =	simm.s32 $0x20;
	v3 =	vld.idx.msk [tilespmem:v1+s4+$0x0], $0xffff  }
0x1da: {  	s20 =	simm.s32 $0x0;
	s6 =	sand.u32 $0x60, s19;
	s1 =	sand.u32 $0x3FFFFF80, s17;
	v4 =	vor.u32 $0x80, v1;
	v2 =	vshll.u32 v0, $0x3  }
0x1db: {  	s5 =	sand.u32 $0x3FFFFC00, s20;
	s8 =	sor.u32 $0x10, s6;
	s1 =	sadd.s32 $0x9C80, s1;
	v0 =	vand.u32 $0x7F, v0;
	v2 =	vand.u32 $0xFFFFFC00, v2  }
0x1dc: {  	s5 =	sadd.s32 $0x11000, s5;
	s31 =	sor.u32 s8, s1;
	v2 =	vor.u32 v0, v2  }
0x1dd: {  	s16 =	sor.u32 s15, s5;
	s1 =	sor.u32 s6, s1;
	v0 =	vld [tilespmem:s31+$0x0]  }
0x1de: {  	[tilespmem:s16+$0x0] =	vst v3;
	v3 =	vld [tilespmem:s1+$0x0]  }
0x1df: {  	v4 =	vld.idx.msk [tilespmem:v4+s4+$0x0], $0xffff  }
0x1e0: {  	v5 =	vor.u32 $0x100, v1  }
0x1e1: {  	v6 =	vld.idx.msk [tilespmem:v2+s4+$0x0], $0xffff  }
0x1e2: {  	v7 =	vor.u32 $0x80, v2;
	v8 =	vshll.u32 v0, $0x3  }
0x1e3: {  	v0 =	vand.u32 $0x7F, v0;
	v8 =	vand.u32 $0xFFFFFC00, v8;
	v9 =	vshll.u32 v3, $0x3  }
0x1e4: {  	v10 =	vand.u32 $0x7F, v3;
	v3 =	vor.u32 v0, v8;
	[tilespmem:s16+$0x80] =	vst v4;
	v0 =	vand.u32 $0xFFFFFC00, v9  }
0x1e5: {  	s1 =	sor.u32 s0, s5;
	v5 =	vld.idx.msk [tilespmem:v5+s4+$0x0], $0xffff;
	v4 =	vor.u32 v10, v0  }
0x1e6: {  	[tilespmem:s1+$0x0] =	vst v6;
	v0 =	vor.u32 $0x180, v1  }
0x1e7: {  	v6 =	vld.idx.msk [tilespmem:v7+s4+$0x0], $0xffff  }
0x1e8: {  	s7 =	simm.s32 $0x40;
	s11 =	simm.s32 $0x40;
	v7 =	vor.u32 $0x100, v2  }
0x1e9: {  	s5 =	sand.u32 $0x60, s11;
	s0 =	sand.u32 $0x3FFFFF80, s7;
	v8 =	vld.idx.msk [tilespmem:v3+s4+$0x0], $0xffff  }
0x1ea: {  	s12 =	simm.s32 $0x100;
	s0 =	sadd.s32 $0x9C80, s0;
	s7 =	sor.u32 $0x10, s5;
	v10 =	vor.u32 $0x80, v3;
	v9 =	vld.idx.msk [tilespmem:v4+s4+$0x0], $0xffff;
	[tilespmem:s16+$0x100] =	vst v5  }
0x1eb: {  	s2 =	sand.u32 $0x3FFFFC00, s12;
	s14 =	sor.u32 s7, s0;
	v0 =	vld.idx.msk [tilespmem:v0+s4+$0x0], $0xffff  }
0x1ec: {  	s2 =	sadd.s32 $0x11000, s2;
	v11 =	vor.u32 $0x200, v1;
	[tilespmem:s1+$0x80] =	vst v6;
	v6 =	vld [tilespmem:s14+$0x0]  }
0x1ed: {  	s11 =	sor.u32 s8, s2;
	s15 =	sor.u32 s5, s0;
	v7 =	vld.idx.msk [tilespmem:v7+s4+$0x0], $0xffff  }
0x1ee: {  	s19 =	simm.s32 $0x60;
	s17 =	simm.s32 $0x60;
	s0 =	sor.u32 s6, s2;
	v5 =	vor.u32 $0x80, v4;
	[tilespmem:s11+$0x0] =	vst v8;
	v8 =	vld [tilespmem:s15+$0x0]  }
0x1ef: {  	s20 =	simm.s32 $0x200;
	v12 =	vor.u32 $0x180, v2;
	s2 =	sand.u32 $0x60, s19;
	s6 =	sand.u32 $0x3FFFFF80, s17;
	v10 =	vld.idx.msk [tilespmem:v10+s4+$0x0], $0xffff;
	[tilespmem:s0+$0x0] =	vst v9  }
0x1f0: {  	s8 =	sand.u32 $0x3FFFFC00, s20;
	s6 =	sadd.s32 $0x9C80, s6;
	s19 =	sor.u32 $0x10, s2;
	v9 =	vor.u32 $0x100, v3;
	[tilespmem:s16+$0x180] =	vst v0  }
0x1f1: {  	s8 =	sadd.s32 $0x11000, s8;
	s31 =	sor.u32 s19, s6;
	v0 =	vshll.u32 v6, $0x3;
	v11 =	vld.idx.msk [tilespmem:v11+s4+$0x0], $0xffff  }
0x1f2: {  	s17 =	sor.u32 s7, s8;
	s7 =	simm.s32 $0x80;
	v15 =	vld [tilespmem:s31+$0x0];
	s14 =	simm.s32 $0x80;
	v6 =	vand.u32 $0x7F, v6;
	[tilespmem:s1+$0x100] =	vst v7;
	v0 =	vand.u32 $0xFFFFFC00, v0;
	v7 =	vor.u32 $0x280, v1  }
0x1f3: {  	s12 =	sand.u32 $0x60, s7;
	s15 =	sor.u32 s5, s8;
	s5 =	sand.u32 $0x3FFFFF80, s14;
	v5 =	vld.idx.msk [tilespmem:v5+s4+$0x0], $0xffff;
	v14 =	vshll.u32 v8, $0x3;
	v0 =	vor.u32 v6, v0  }
0x1f4: {  	s20 =	simm.s32 $0x300;
	s28 =	sor.u32 $0x10, s12;
	v13 =	vor.u32 $0x100, v4;
	s31 =	sadd.s32 $0x9C80, s5;
	v12 =	vld.idx.msk [tilespmem:v12+s4+$0x0], $0xffff;
	v8 =	vand.u32 $0x7F, v8;
	[tilespmem:s11+$0x80] =	vst v10;
	v10 =	vand.u32 $0xFFFFFC00, v14  }
0x1f5: {  	s14 =	sand.u32 $0x3FFFFC00, s20;
	s20 =	sor.u32 s28, s31;
	v9 =	vld.idx.msk [tilespmem:v9+s4+$0x0], $0xffff;
	v8 =	vor.u32 v8, v10  }
0x1f6: {  	v21 =	vld [tilespmem:s20+$0x0];
	v10 =	vor.u32 $0x180, v3;
	[tilespmem:s16+$0x200] =	vst v11  }
0x1f7: {  	v6 =	vor.u32 $0x200, v2;
	v7 =	vld.idx.msk [tilespmem:v7+s4+$0x0], $0xffff  }
0x1f8: {  	[tilespmem:s0+$0x80] =	vst v5;
	v11 =	vld.idx.msk [tilespmem:v0+s4+$0x0], $0xffff  }
0x1f9: {  	v5 =	vld.idx.msk [tilespmem:v13+s4+$0x0], $0xffff;
	[tilespmem:s1+$0x180] =	vst v12;
	v12 =	vor.u32 $0x300, v1  }
0x1fa: {  	v14 =	vor.u32 $0x80, v0;
	v13 =	vld.idx.msk [tilespmem:v8+s4+$0x0], $0xffff;
	[tilespmem:s11+$0x100] =	vst v9  }
0x1fb: {  	v9 =	vor.u32 $0x80, v8;
	v10 =	vld.idx.msk [tilespmem:v10+s4+$0x0], $0xffff  }
0x1fc: {  	s6 =	sor.u32 s2, s6;
	v16 =	vor.u32 $0x200, v3;
	v6 =	vld.idx.msk [tilespmem:v6+s4+$0x0], $0xffff;
	[tilespmem:s16+$0x280] =	vst v7  }
0x1fd: {  	v7 =	vor.u32 $0x180, v4;
	[tilespmem:s17+$0x0] =	vst v11;
	v11 =	vld [tilespmem:s6+$0x0]  }
0x1fe: {  	v17 =	vor.u32 $0x280, v2;
	v12 =	vld.idx.msk [tilespmem:v12+s4+$0x0], $0xffff  }
0x1ff: {  	v14 =	vld.idx.msk [tilespmem:v14+s4+$0x0], $0xffff;
	[tilespmem:s15+$0x0] =	vst v13;
	v13 =	vor.u32 $0x380, v1  }
0x200: {  	v18 =	vor.u32 $0x100, v0;
	v9 =	vld.idx.msk [tilespmem:v9+s4+$0x0], $0xffff;
	[tilespmem:s11+$0x180] =	vst v10  }
0x201: {  	[tilespmem:s0+$0x100] =	vst v5;
	v1 =	vshll.u32 v15, $0x3;
	v10 =	vor.u32 $0x100, v8;
	v5 =	vld.idx.msk [tilespmem:v16+s4+$0x0], $0xffff  }
0x202: {  	[tilespmem:s1+$0x200] =	vst v6;
	v1 =	vand.u32 $0xFFFFFC00, v1;
	v6 =	vld.idx.msk [tilespmem:v7+s4+$0x0], $0xffff;
	v7 =	vand.u32 $0x7F, v15;
	v15 =	vor.u32 $0x280, v3  }
0x203: {  	v16 =	vld.idx.msk [tilespmem:v17+s4+$0x0], $0xffff;
	[tilespmem:s16+$0x300] =	vst v12;
	v12 =	vshll.u32 v11, $0x3;
	v1 =	vor.u32 v7, v1  }
0x204: {  	v7 =	vor.u32 $0x200, v4;
	v11 =	vand.u32 $0x7F, v11;
	[tilespmem:s17+$0x80] =	vst v14;
	v13 =	vld.idx.msk [tilespmem:v13+s4+$0x0], $0xffff;
	v12 =	vand.u32 $0xFFFFFC00, v12  }
0x205: {  	v14 =	vld.idx.msk [tilespmem:v18+s4+$0x0], $0xffff;
	v12 =	vor.u32 v11, v12;
	[tilespmem:s15+$0x80] =	vst v9  }
0x206: {  	v10 =	vld.idx.msk [tilespmem:v10+s4+$0x0], $0xffff;
	[tilespmem:s11+$0x200] =	vst v5  }
0x207: {  	v9 =	vor.u32 $0x180, v0;
	v11 =	vld.idx.msk [tilespmem:v15+s4+$0x0], $0xffff  }
0x208: {  	v5 =	vor.u32 $0x300, v2;
	[tilespmem:s0+$0x180] =	vst v6;
	v6 =	vld.idx.msk [tilespmem:v1+s4+$0x0], $0xffff  }
0x209: {  	[tilespmem:s1+$0x280] =	vst v16;
	v15 =	vld.idx.msk [tilespmem:v7+s4+$0x0], $0xffff;
	v7 =	vor.u32 $0x300, v3  }
0x20a: {  	s31 =	sor.u32 s12, s31;
	v20 =	vor.u32 $0x180, v8;
	[tilespmem:s17+$0x100] =	vst v14;
	v17 =	vld.idx.msk [tilespmem:v12+s4+$0x0], $0xffff  }
0x20b: {  	v23 =	vld [tilespmem:s31+$0x0];
	v18 =	vor.u32 $0x80, v1;
	[tilespmem:s16+$0x380] =	vst v13  }
0x20c: {  	s14 =	sadd.s32 $0x11000, s14;
	v16 =	vor.u32 $0x80, v12;
	v14 =	vld.idx.msk [tilespmem:v9+s4+$0x0], $0xffff;
	[tilespmem:s15+$0x100] =	vst v10  }
0x20d: {  	v22 =	vor.u32 $0x280, v4;
	s5 =	sor.u32 s19, s14;
	v19 =	vld.idx.msk [tilespmem:v5+s4+$0x0], $0xffff;
	[tilespmem:s11+$0x280] =	vst v11  }
0x20e: {  	s16 =	sor.u32 s2, s14;
	v5 =	vor.u32 $0x200, v0;
	[tilespmem:s5+$0x0] =	vst v6;
	v6 =	vld.idx.msk [tilespmem:v7+s4+$0x0], $0xffff  }
0x20f: {  	v24 =	vor.u32 $0x380, v2;
	v63 =	vor.u32 $0x280, v0;
	v27 =	vld.idx.msk [tilespmem:v20+s4+$0x0], $0xffff;
	[tilespmem:s16+$0x0] =	vst v17;
	v17 =	vor.u32 $0x380, v3  }
0x210: {  	v2 =	vor.u32 $0x380, v4;
	v26 =	vor.u32 $0x100, v12;
	v13 =	vor.u32 $0x180, v12;
	v18 =	vld.idx.msk [tilespmem:v18+s4+$0x0], $0xffff  }
0x211: {  	v9 =	vor.u32 $0x300, v4;
	v4 =	vor.u32 $0x300, v8;
	[tilespmem:s0+$0x200] =	vst v15;
	v25 =	vld.idx.msk [tilespmem:v16+s4+$0x0], $0xffff;
	v16 =	vor.u32 $0x100, v1  }
0x212: {  	v10 =	vor.u32 $0x200, v12;
	v11 =	vor.u32 $0x200, v8;
	v7 =	vor.u32 $0x280, v8;
	v20 =	vld.idx.msk [tilespmem:v22+s4+$0x0], $0xffff;
	[tilespmem:s17+$0x180] =	vst v14  }
0x213: {  	v15 =	vand.u32 $0x7F, v21;
	v3 =	vor.u32 $0x380, v8;
	v14 =	vld.idx.msk [tilespmem:v5+s4+$0x0], $0xffff;
	[tilespmem:s11+$0x300] =	vst v6;
	v6 =	vshll.u32 v21, $0x3  }
0x214: {  	v8 =	vor.u32 $0x280, v12;
	v5 =	vor.u32 $0x300, v12;
	v22 =	vld.idx.msk [tilespmem:v17+s4+$0x0], $0xffff;
	v17 =	vand.u32 $0xFFFFFC00, v6  }
0x215: {  	v21 =	vshll.u32 v23, $0x3;
	[tilespmem:s5+$0x80] =	vst v18;
	v6 =	vor.u32 $0x380, v12;
	v12 =	vor.u32 v15, v17  }
0x216: {  	[tilespmem:s1+$0x300] =	vst v19;
	v18 =	vand.u32 $0x7F, v23;
	v19 =	vand.u32 $0xFFFFFC00, v21;
	v23 =	vld.idx.msk [tilespmem:v16+s4+$0x0], $0xffff  }
0x217: {  	v16 =	vor.u32 v18, v19;
	[tilespmem:s16+$0x80] =	vst v25;
	v19 =	vld.idx.msk [tilespmem:v24+s4+$0x0], $0xffff  }
0x218: {  	[tilespmem:s17+$0x200] =	vst v14;
	v18 =	vor.u32 $0x80, v16;
	v15 =	vor.u32 $0x100, v16;
	v24 =	vld.idx.msk [tilespmem:v26+s4+$0x0], $0xffff;
	v26 =	vor.u32 $0x180, v1  }
0x219: {  	s19 =	simm.s32 $0x8;
	s2 =	simm.s32 $0x8;
	[tilespmem:s15+$0x180] =	vst v27;
	v17 =	vor.u32 $0x180, v16;
	v25 =	vor.u32 $0x200, v16;
	v14 =	vor.u32 $0x280, v16;
	v21 =	vld.idx.msk [tilespmem:v63+s4+$0x0], $0xffff  }
.LBB2_9:
0x21a: {  	s2 =	sadd.s32 $0x2, s2;
	v27 =	vor.u32 $0x300, v16;
	v28 =	vor.u32 $0x380, v16;
	v29 =	vld.idx.msk [tilespmem:v12+s4+$0x0], $0xffff;
	[tilespmem:s0+$0x280] =	vst v20  }
0x21b: {  	s7 =	sadd.s32 $0x20, s7;
	v30 =	vor.u32 $0x300, v0;
	s6 =	sshll.u32 s2, $0x4;
	p0 =	slt.u32 s2, $0xC6;
	v20 =	vld.idx.msk [tilespmem:v11+s4+$0x0], $0xffff;
	[tilespmem:s11+$0x380] =	vst v22;
	v11 =	vmov v10;
	v10 =	vmov v25  }
0x21c: {  	s8 =	sand.u32 $0x60, s7;
	s11 =	sshll.u32 s19, $0x7;
	v22 =	vor.u32 $0x80, v12;
	s6 =	sand.u32 $0x3FFFFF80, s6;
	v16 =	vld.idx.msk [tilespmem:v16+s4+$0x0], $0xffff;
	[tilespmem:s5+$0x100] =	vst v23  }
0x21d: {  	s14 =	sor.u32 $0x10, s8;
	s11 =	sand.u32 $0x3FFFFC00, s11;
	s6 =	sadd.s32 $0x9C80, s6;
	v23 =	vld.idx.msk [tilespmem:v26+s4+$0x0], $0xffff;
	[tilespmem:s1+$0x380] =	vst v19  }
0x21e: {  	s20 =	sor.u32 s8, s6;
	s1 =	sor.u32 s14, s6;
	s6 =	sadd.s32 $0x11000, s11;
	[tilespmem:s16+$0x100] =	vst v24;
	v19 =	vld.idx.msk [tilespmem:v9+s4+$0x0], $0xffff;
	v9 =	vmov v4;
	v4 =	vmov v5;
	v5 =	vmov v27  }
0x21f: {  	v25 =	vor.u32 $0x200, v1;
	s19 =	smov.u32 s2;
	v24 =	vld [tilespmem:s1+$0x0];
	s11 =	sor.u32 s12, s6;
	s6 =	sor.u32 s28, s6;
	[tilespmem:s17+$0x280] =	vst v21  }
0x220: {  	s12 =	smov.u32 s8;
	s28 =	smov.u32 s14;
	s1 =	smov.u32 s0;
	[tilespmem:s6+$0x0] =	vst v29;
	v21 =	vld.idx.msk [tilespmem:v30+s4+$0x0], $0xffff  }
0x221: {  	s0 =	smov.u32 s15;
	v22 =	vld.idx.msk [tilespmem:v22+s4+$0x0], $0xffff;
	[tilespmem:s15+$0x200] =	vst v20;
	s15 =	smov.u32 s16;
	s16 =	smov.u32 s11  }
0x222: {  	s11 =	smov.u32 s17;
	s17 =	smov.u32 s5;
	s5 =	smov.u32 s6;
	v26 =	vld [tilespmem:s20+$0x0];
	[tilespmem:s16+$0x0] =	vst v16;
	v16 =	vor.u32 $0x380, v0;
	v0 =	vmov v1;
	v1 =	vmov v12  }
0x223: {  	v18 =	vld.idx.msk [tilespmem:v18+s4+$0x0], $0xffff;
	v27 =	vor.u32 $0x100, v1;
	[tilespmem:s17+$0x180] =	vst v23  }
0x224: {  	v25 =	vld.idx.msk [tilespmem:v25+s4+$0x0], $0xffff;
	[tilespmem:s1+$0x300] =	vst v19  }
0x225: {  	v12 =	vshll.u32 v24, $0x3;
	v29 =	vld.idx.msk [tilespmem:v13+s4+$0x0], $0xffff;
	v13 =	vmov v17  }
0x226: {  	v30 =	vor.u32 $0x280, v0;
	v17 =	vand.u32 $0x7F, v24;
	v12 =	vand.u32 $0xFFFFFC00, v12;
	v20 =	vld.idx.msk [tilespmem:v7+s4+$0x0], $0xffff;
	[tilespmem:s11+$0x300] =	vst v21;
	v7 =	vmovc v8;
	v8 =	vmovc v14  }
.Ltmp3:
0x227: {  	v12 =	vor.u32 v17, v12;
	v14 =	vand.u32 $0x7F, v26;
	v19 =	vshll.u32 v26, $0x3;
	[tilespmem:s5+$0x80] =	vst v22;
	v22 =	vld.idx.msk [tilespmem:v16+s4+$0x0], $0xffff;
	(pc) =	sbr.rel @p0 .LBB2_9-.Ltmp3, $4  }
0x228: {  	v16 =	vand.u32 $0xFFFFFC00, v19;
	v23 =	vld.idx.msk [tilespmem:v27+s4+$0x0], $0xffff  }
0x229: {  	v16 =	vor.u32 v14, v16;
	[tilespmem:s16+$0x80] =	vst v18;
	v19 =	vld.idx.msk [tilespmem:v2+s4+$0x0], $0xffff;
	v2 =	vmovc v3;
	v3 =	vmov v6;
	v6 =	vmov v28  }
0x22a: {  	v26 =	vor.u32 $0x180, v1;
	v18 =	vor.u32 $0x80, v16;
	v24 =	vld.idx.msk [tilespmem:v15+s4+$0x0], $0xffff;
	v15 =	vor.u32 $0x100, v16;
	[tilespmem:s17+$0x200] =	vst v25  }
0x22b: {  	v17 =	vor.u32 $0x180, v16;
	v25 =	vor.u32 $0x200, v16;
	v14 =	vor.u32 $0x280, v16;
	[tilespmem:s15+$0x180] =	vst v29;
	v21 =	vld.idx.msk [tilespmem:v30+s4+$0x0], $0xffff  }
0x22c: {  	_ =	sdelay $0x3  }
0x22d: {  	v27 =	vld.idx.msk [tilespmem:v12+s4+$0x0], $0xffff  }
0x22e: {  	s2 =	sshll.u32 s19, $0x7;
	v28 =	vor.u32 $0x80, v12;
	v29 =	vld.idx.msk [tilespmem:v16+s4+$0x0], $0xffff  }
0x22f: {  	s2 =	sand.u32 $0x3FFFFC00, s2  }
0x230: {  	s2 =	sadd.s32 $0x11000, s2  }
0x231: {  	s7 =	sor.u32 s28, s2  }
0x232: {  	s2 =	sor.u32 s12, s2;
	[tilespmem:s7+$0x0] =	vst v27  }
0x233: {  	[tilespmem:s2+$0x0] =	vst v29;
	v27 =	vld.idx.msk [tilespmem:v28+s4+$0x0], $0xffff  }
0x234: {  	v40 =	vor.u32 $0x100, v12;
	v18 =	vld.idx.msk [tilespmem:v18+s4+$0x0], $0xffff;
	_ =	sdelay $0x3  }
0x235: {  	[tilespmem:s7+$0x80] =	vst v27  }
0x236: {  	[tilespmem:s2+$0x80] =	vst v18;
	v27 =	vld.idx.msk [tilespmem:v40+s4+$0x0], $0xffff  }
0x237: {  	v41 =	vor.u32 $0x180, v12;
	[tilespmem:s0+$0x280] =	vst v20;
	v15 =	vld.idx.msk [tilespmem:v15+s4+$0x0], $0xffff  }
0x238: {  	[tilespmem:s11+$0x380] =	vst v22  }
0x239: {  	[tilespmem:s5+$0x100] =	vst v23  }
0x23a: {  	v42 =	vld.idx.msk [tilespmem:v26+s4+$0x0], $0xffff;
	[tilespmem:s16+$0x100] =	vst v24  }
0x23b: {  	v43 =	vor.u32 $0x200, v1;
	v13 =	vld.idx.msk [tilespmem:v13+s4+$0x0], $0xffff;
	[tilespmem:s7+$0x100] =	vst v27  }
0x23c: {  	[tilespmem:s2+$0x100] =	vst v15;
	v18 =	vld.idx.msk [tilespmem:v41+s4+$0x0], $0xffff  }
0x23d: {  	v44 =	vor.u32 $0x200, v12;
	[tilespmem:s1+$0x380] =	vst v19;
	v17 =	vld.idx.msk [tilespmem:v17+s4+$0x0], $0xffff  }
0x23e: {  	v11 =	vld.idx.msk [tilespmem:v11+s4+$0x0], $0xffff;
	[tilespmem:s17+$0x280] =	vst v21  }
0x23f: {  	v45 =	vor.u32 $0x300, v0;
	v9 =	vld.idx.msk [tilespmem:v9+s4+$0x0], $0xffff;
	[tilespmem:s5+$0x180] =	vst v42  }
0x240: {  	v20 =	vld.idx.msk [tilespmem:v43+s4+$0x0], $0xffff;
	[tilespmem:s16+$0x180] =	vst v13  }
0x241: {  	v46 =	vor.u32 $0x280, v1;
	v10 =	vld.idx.msk [tilespmem:v10+s4+$0x0], $0xffff;
	[tilespmem:s7+$0x180] =	vst v18  }
0x242: {  	[tilespmem:s2+$0x180] =	vst v17;
	v47 =	vld.idx.msk [tilespmem:v44+s4+$0x0], $0xffff  }
0x243: {  	v48 =	vor.u32 $0x280, v12;
	[tilespmem:s15+$0x200] =	vst v11;
	v49 =	vld.idx.msk [tilespmem:v25+s4+$0x0], $0xffff  }
0x244: {  	v50 =	vld.idx.msk [tilespmem:v45+s4+$0x0], $0xffff;
	[tilespmem:s0+$0x300] =	vst v9  }
0x245: {  	v7 =	vld.idx.msk [tilespmem:v7+s4+$0x0], $0xffff;
	[tilespmem:s5+$0x200] =	vst v20  }
0x246: {  	v52 =	vld.idx.msk [tilespmem:v46+s4+$0x0], $0xffff;
	[tilespmem:s16+$0x200] =	vst v10  }
0x247: {  	v53 =	vor.u32 $0x300, v1;
	v8 =	vld.idx.msk [tilespmem:v8+s4+$0x0], $0xffff;
	[tilespmem:s7+$0x200] =	vst v47  }
0x248: {  	[tilespmem:s2+$0x200] =	vst v49;
	v54 =	vld.idx.msk [tilespmem:v48+s4+$0x0], $0xffff  }
0x249: {  	v55 =	vor.u32 $0x300, v12;
	[tilespmem:s17+$0x300] =	vst v50;
	v11 =	vld.idx.msk [tilespmem:v14+s4+$0x0], $0xffff  }
0x24a: {  	v56 =	vor.u32 $0x300, v16;
	v2 =	vld.idx.msk [tilespmem:v2+s4+$0x0], $0xffff;
	[tilespmem:s15+$0x280] =	vst v7  }
0x24b: {  	v51 =	vor.u32 $0x380, v0;
	v4 =	vld.idx.msk [tilespmem:v4+s4+$0x0], $0xffff;
	[tilespmem:s5+$0x280] =	vst v52  }
0x24c: {  	v57 =	vld.idx.msk [tilespmem:v53+s4+$0x0], $0xffff;
	[tilespmem:s16+$0x280] =	vst v8  }
0x24d: {  	v58 =	vor.u32 $0x380, v1;
	v5 =	vld.idx.msk [tilespmem:v5+s4+$0x0], $0xffff;
	[tilespmem:s7+$0x280] =	vst v54  }
0x24e: {  	[tilespmem:s2+$0x280] =	vst v11;
	v59 =	vld.idx.msk [tilespmem:v55+s4+$0x0], $0xffff  }
0x24f: {  	v60 =	vor.u32 $0x380, v12;
	[tilespmem:s0+$0x380] =	vst v2;
	v61 =	vld.idx.msk [tilespmem:v56+s4+$0x0], $0xffff  }
0x250: {  	v62 =	vor.u32 $0x380, v16;
	v0 =	vld.idx.msk [tilespmem:v51+s4+$0x0], $0xffff;
	[tilespmem:s15+$0x300] =	vst v4  }
0x251: {  	v3 =	vld.idx.msk [tilespmem:v3+s4+$0x0], $0xffff;
	[tilespmem:s5+$0x300] =	vst v57  }
0x252: {  	v1 =	vld.idx.msk [tilespmem:v58+s4+$0x0], $0xffff;
	[tilespmem:s16+$0x300] =	vst v5  }
0x253: {  	v5 =	vld.idx.msk [tilespmem:v6+s4+$0x0], $0xffff;
	[tilespmem:s7+$0x300] =	vst v59  }
0x254: {  	[tilespmem:s2+$0x300] =	vst v61;
	v63 =	vld.idx.msk [tilespmem:v60+s4+$0x0], $0xffff  }
0x255: {  	[tilespmem:s17+$0x380] =	vst v0;
	v0 =	vld.idx.msk [tilespmem:v62+s4+$0x0], $0xffff  }
0x256: {  	p0 =	sne.s32 s30, $0x10;
	[tilespmem:s15+$0x380] =	vst v3  }
.Ltmp4:
0x257: {  	[tilespmem:s5+$0x380] =	vst v1;
	(pc) =	sbr.rel @p0 .LBB2_2-.Ltmp4, $4  }
0x258: {  	[tilespmem:s16+$0x380] =	vst v5  }
0x259: {  	s31 =	sor.u32 $0x320000, s29;
	[tilespmem:s7+$0x380] =	vst v63  }
0x25a: {  	s0 =	sadd.s32 s3, s31;
	[tilespmem:s2+$0x380] =	vst v0  }
0x25b: {  	[hbm4b:s0+s13] =	stream.strided.scatter [tilespmem:s23], [sflag:$0x4], $0x6400, s21, s13, $0x38;
	[tilespmem:$0x17400] =	vst v63  }
0x25c: {  	_ =	swait.ge [sflag:s25], $0x6400  }
0x25d: {  	[sflag:s25] =	ssyncset.done $0x0  }
0x25e: {  	[sflag:s25] =	ssyncadd.s32 $0xFFFF9C00  }
0x25f: {  	_ =	swait.ge [sflag:s26], $0x6400  }
0x260: {  	s1 =	rddreg [dreg:$0xa]  }
0x261: {  	s0 =	rddreg [dreg:$0x8];
	s1 =	sadd.s32 $0x1, s1  }
0x262: {  	p0 =	sne.s32 s1, s0  }
.Ltmp5:
0x263: {  	_ = 	snop;
	(pc) =	sbr.rel @p0 .LBB2_1-.Ltmp5, $3  }
0x264: {  	_ =	sdelay $0x1  }
0x265: {  	[sflag:s26] =	ssyncset.done $0x0  }
0x266: {  	[sflag:s26] =	ssyncadd.s32 $0xFFFF9C00  }
0x267: {  	_ =	sfence.sel $0x180000  }
0x268: {  	[bflag:$0x0] =	sbarrier.arrive $0xFFFF  }
0x269: {  	_ =	strace $0x90000047  }
0x26a: {  	s0 =	stileid.u32;
	[bflag:$0x2] =	sbarrier.arrive $0xFFFF  }
0x26b: {  	p0 =	sne.s32 s0, $0x0;
	s0 =	rddreg [dreg:$0x3]  }
0x26c: {  	s0 =	sadd.s32 @!p0 $0x100000, s0  }
0x26d: {  	[sflag:s0] =	ssyncadd.tile.s32 @!p0 $0x1;
	_ =	shalt  }
.Lfunc_end2:
_tile_overlayer_lowered:
.L_overlay_start_2:
0x26e: {  	(tag) =	ssettag $0x2  }
0x26f: {  	s0 =	rddreg [dreg:$0x0];
	s2 =	stileid.u32  }
0x270: {  	s1 =	rddreg [dreg:$0x1];
	p0 =	sne.s32 s2, $0x0  }
0x271: {  	s3 =	rddreg [dreg:$0x2];
	[bflag:$0x3] =	sbarrier.arrive $0xFFFF;
	s2 =	simm.s32 @!p0 $0x1C05  }
0x272: {  	[timem:s3], [sflag:s2] =	dma.local @!p0 [hbm:s0], s1  }
0x273: {  	s0 =	simm.s32 @!p0 $0x5  }
0x274: {  	_ =	swait.ge @!p0 [sflag:s0], s1  }
0x275: {  	s1 =	ssub.s32 @!p0 $0x0, s1;
	[sflag:s0] =	ssyncset.done @!p0 $0x0  }
0x276: {  	[sflag:s0] =	ssyncadd.s32 @!p0 s1  }
0x277: {  	[bflag:$0x3] =	sbarrier.arrive $0xFFFF  }
0x278: {  	_ =	shalt  }

</sc_bundles>
